<compile_context>
chip_gen: v7x
topology: tpu7x:2x2x1
jax: 0.10.2.dev20260603
libtpu: 0.0.44.dev20260713+nightly
codegen_flags: <defaults>
</compile_context>

<pallas_src>
import functools

import jax
import jax.numpy as jnp
from jax import lax
from jax.experimental import pallas as pl
from jax.experimental.pallas import tpu as pltpu
from jax.experimental.pallas import tpu_sc as plsc

_B, _S = 16384, 50
_SP = 56
_D = 64
_DP = 128
_NC, _NS = 2, 16
_NW = _NC * _NS
_RPW = _B // _NW
_NBUF = 8
_H = 4


def _sc_gather(idx, table):
    mesh = plsc.VectorSubcoreMesh(core_axis_name="c", subcore_axis_name="s")

    @functools.partial(
        pl.kernel,
        mesh=mesh,
        out_type=jax.ShapeDtypeStruct((_B, _SP, _DP), jnp.float32),
        compiler_params=pltpu.CompilerParams(use_tc_tiling_on_sc=False),
        scratch_types=[
            pltpu.VMEM((_RPW, _S), jnp.int32),
            pltpu.VMEM((_NBUF, _S, _D), jnp.float32),
            [pltpu.SemaphoreType.DMA] * _NBUF,
            [pltpu.SemaphoreType.DMA] * _NBUF,
        ],
    )
    def k(idx_hbm, table_hbm, out_hbm, idx_v, rows_v, sem_g, sem_s):
        wid = lax.axis_index("s") * _NC + lax.axis_index("c")
        base = wid * _RPW
        pltpu.sync_copy(idx_hbm.at[pl.ds(base, _RPW)], idx_v)

        def fire_gather(r, b):
            pltpu.async_copy(table_hbm.at[idx_v.at[r]], rows_v.at[b], sem_g[b])

        def wait_gather(b):
            pltpu.make_async_copy(
                table_hbm.at[idx_v.at[0]], rows_v.at[b], sem_g[b]
            ).wait()

        def fire_store(r, b):
            pltpu.async_copy(
                rows_v.at[b],
                out_hbm.at[base + r, pl.ds(0, _S), pl.ds(0, _D)],
                sem_s[b],
            )

        def wait_store(b):
            pltpu.make_async_copy(
                rows_v.at[b],
                out_hbm.at[base, pl.ds(0, _S), pl.ds(0, _D)],
                sem_s[b],
            ).wait()

        for b in range(_H):
            fire_gather(b, b)

        def body(g, _):
            r0 = g * _NBUF
            for b in range(_NBUF):
                r = r0 + b
                f = r + _H
                bf = (b + _H) % _NBUF

                @pl.when(f < _RPW)
                def _():
                    @pl.when(f >= _NBUF)
                    def _():
                        wait_store(bf)
                    fire_gather(f, bf)

                wait_gather(b)
                fire_store(r, b)
            return 0

        lax.fori_loop(0, _RPW // _NBUF, body, 0)

        for b in range(_NBUF - _H, _NBUF):
            wait_store(b)

    return k(idx, table)


def kernel(x, table):
    out3 = _sc_gather(x.astype(jnp.int32), table)
    return out3[:, :_S, :_D]

# --- scband reference (transcript-rebuilt; emitter-appended) ---
"""Pipeline reference for scband-embedding-model-31920196944540 (READ-ONLY COPY).

The authoritative reference and input builder live on the scoring server;
editing this copy changes nothing except your own understanding.
"""

import jax, jax.numpy as jnp
import numpy as np

OBJECT_NUM = 1000000
EMB_DIM = 64

def setup_inputs(seed: int = 0) -> dict:
    key = jax.random.key(seed)
    k_idx, k_tab = jax.random.split(key)
    x = jax.random.randint(k_idx, (16384, 50), 0, OBJECT_NUM, dtype=jnp.int64 if jax.config.read('jax_enable_x64') else jnp.int32)
    # Embedding weight initialized as normal(mean=1.0, std=0.1) per _init_weights
    table = 1.0 + 0.1 * jax.random.normal(k_tab, (OBJECT_NUM, EMB_DIM), dtype=jnp.float32)
    return {"x": x, "table": table}

def reference(x, table):
    # EmbeddingModel.forward: nn.Embedding lookup
    return jnp.take(table, x, axis=0)

if __name__ == "__main__":
    import jax
    _d = setup_inputs()
    print(jax.jit(kernel)(*tuple(_d.values())))

</pallas_src>

<mosaic_0001>
#map = affine_map<(d0, d1) -> (0, 0)>
#map1 = affine_map<(d0, d1) -> (0, 0, 0)>
module attributes {stable_mosaic.version = 14 : i64} {
  func.func @k(%arg0: i32, %arg1: i32, %arg2: memref<16384x50xi32, #tpu.memory_space<hbm>>, %arg3: memref<1000000x64xf32, #tpu.memory_space<hbm>>, %arg4: memref<16384x56x128xf32, #tpu.memory_space<hbm>>, %arg5: memref<512x50xi32, #tpu.memory_space<vmem>>, %arg6: memref<8x50x64xf32, #tpu.memory_space<vmem>>, %arg7: memref<!tpu.dma_semaphore, #tpu.memory_space<semaphore_mem>>, %arg8: memref<!tpu.dma_semaphore, #tpu.memory_space<semaphore_mem>>, %arg9: memref<!tpu.dma_semaphore, #tpu.memory_space<semaphore_mem>>, %arg10: memref<!tpu.dma_semaphore, #tpu.memory_space<semaphore_mem>>, %arg11: memref<!tpu.dma_semaphore, #tpu.memory_space<semaphore_mem>>, %arg12: memref<!tpu.dma_semaphore, #tpu.memory_space<semaphore_mem>>, %arg13: memref<!tpu.dma_semaphore, #tpu.memory_space<semaphore_mem>>, %arg14: memref<!tpu.dma_semaphore, #tpu.memory_space<semaphore_mem>>, %arg15: memref<!tpu.dma_semaphore, #tpu.memory_space<semaphore_mem>>, %arg16: memref<!tpu.dma_semaphore, #tpu.memory_space<semaphore_mem>>, %arg17: memref<!tpu.dma_semaphore, #tpu.memory_space<semaphore_mem>>, %arg18: memref<!tpu.dma_semaphore, #tpu.memory_space<semaphore_mem>>, %arg19: memref<!tpu.dma_semaphore, #tpu.memory_space<semaphore_mem>>, %arg20: memref<!tpu.dma_semaphore, #tpu.memory_space<semaphore_mem>>, %arg21: memref<!tpu.dma_semaphore, #tpu.memory_space<semaphore_mem>>, %arg22: memref<!tpu.dma_semaphore, #tpu.memory_space<semaphore_mem>>) attributes {dimension_semantics = [#tpu.dimension_semantics<core_parallel>, #tpu.dimension_semantics<subcore_parallel>], iteration_bounds = array<i64: 2, 16>, scalar_prefetch = 0 : i64, scratch_operands = 18 : i64, tpu.core_type = #tpu.core_type<sc_vector_subcore>, window_params = [{transform_indices = #map}, {transform_indices = #map}, {transform_indices = #map1}]} {
    %mul3A = arith.constant 2 : i32
    %mul3A_0 = arith.muli %arg1, %mul3A : i32
    %add3A = arith.addi %mul3A_0, %arg0 : i32
    %mul3A_1 = arith.constant 512 : i32
    %mul3A_2 = arith.muli %add3A, %mul3A_1 : i32
    "tpu.region"() ({
      %run_scoped3A = tpu.sem_alloc : memref<!tpu.dma_semaphore, #tpu.memory_space<semaphore_mem>>
      %dma_start3A_123 = arith.constant 0 : i32
      %dma_start3A_124 = tpu.memref_slice %arg2[%mul3A_2, %dma_start3A_123] : memref<16384x50xi32, #tpu.memory_space<hbm>> -> memref<512x50xi32, #tpu.memory_space<hbm>>
      %dma_start3A_125 = arith.constant 0 : i32
      %dma_start3A_126 = tpu.memref_slice %arg2[%mul3A_2, %dma_start3A_125] : memref<16384x50xi32, #tpu.memory_space<hbm>> -> memref<512x50xi32, #tpu.memory_space<hbm>>
      tpu.enqueue_dma source(%dma_start3A_126 : memref<512x50xi32, #tpu.memory_space<hbm>>) target(%arg5 : memref<512x50xi32, #tpu.memory_space<vmem>>) target_semaphore(%run_scoped3A : memref<!tpu.dma_semaphore, #tpu.memory_space<semaphore_mem>>)
      %dma_wait3A_127 = arith.constant 0 : i32
      %dma_wait3A_128 = tpu.memref_slice %arg2[%mul3A_2, %dma_wait3A_127] : memref<16384x50xi32, #tpu.memory_space<hbm>> -> memref<512x50xi32, #tpu.memory_space<hbm>>
      %dma_wait3A_129 = arith.constant 0 : i32
      %dma_wait3A_130 = tpu.memref_slice %arg2[%mul3A_2, %dma_wait3A_129] : memref<16384x50xi32, #tpu.memory_space<hbm>> -> memref<512x50xi32, #tpu.memory_space<hbm>>
      tpu.wait_dma2 semaphore(%run_scoped3A : memref<!tpu.dma_semaphore, #tpu.memory_space<semaphore_mem>>) src(%dma_wait3A_130 : memref<512x50xi32, #tpu.memory_space<hbm>>) dst(%arg5 : memref<512x50xi32, #tpu.memory_space<vmem>>)
      tpu.yield
    }) : () -> ()
    %dma_start3A = arith.constant 0 : i32
    %dma_start3A_3 = arith.constant 0 : i32
    %dma_start3A_4 = arith.constant 0 : i32
    %dma_start3A_5 = arith.constant 0 : i32
    %dma_start3A_6 = tpu.memref_slice %arg6[%dma_start3A_3, %dma_start3A_4, %dma_start3A_5] : memref<8x50x64xf32, #tpu.memory_space<vmem>> -> memref<1x50x64xf32, #tpu.memory_space<vmem>>
    %dma_start3A_7 = tpu.memref_squeeze %dma_start3A_6 : memref<1x50x64xf32, #tpu.memory_space<vmem>> -> memref<50x64xf32, #tpu.memory_space<vmem>>
    %dma_start3A_8 = arith.constant 0 : i32
    %dma_start3A_9 = tpu.memref_slice %arg5[%dma_start3A, %dma_start3A_8] : memref<512x50xi32, #tpu.memory_space<vmem>> -> memref<1x50xi32, #tpu.memory_space<vmem>>
    %dma_start3A_10 = tpu.memref_squeeze %dma_start3A_9 : memref<1x50xi32, #tpu.memory_space<vmem>> -> memref<50xi32, #tpu.memory_space<vmem>>
    %dma_start3A_11 = arith.constant 0 : i32
    %dma_start3A_12 = arith.constant 0 : i32
    %dma_start3A_13 = tpu.memref_slice %arg3[%dma_start3A_11, %dma_start3A_12] : memref<1000000x64xf32, #tpu.memory_space<hbm>> -> memref<1000000x64xf32, #tpu.memory_space<hbm>>
    tpu.enqueue_indirect_dma source(%dma_start3A_13 : memref<1000000x64xf32, #tpu.memory_space<hbm>>) target(%dma_start3A_7 : memref<50x64xf32, #tpu.memory_space<vmem>>) offsets(%dma_start3A_10 : memref<50xi32, #tpu.memory_space<vmem>>) semaphore(%arg7 : memref<!tpu.dma_semaphore, #tpu.memory_space<semaphore_mem>>)
    %dma_start3A_14 = arith.constant 1 : i32
    %dma_start3A_15 = arith.constant 1 : i32
    %dma_start3A_16 = arith.constant 0 : i32
    %dma_start3A_17 = arith.constant 0 : i32
    %dma_start3A_18 = tpu.memref_slice %arg6[%dma_start3A_15, %dma_start3A_16, %dma_start3A_17] : memref<8x50x64xf32, #tpu.memory_space<vmem>> -> memref<1x50x64xf32, #tpu.memory_space<vmem>>
    %dma_start3A_19 = tpu.memref_squeeze %dma_start3A_18 : memref<1x50x64xf32, #tpu.memory_space<vmem>> -> memref<50x64xf32, #tpu.memory_space<vmem>>
    %dma_start3A_20 = arith.constant 0 : i32
    %dma_start3A_21 = tpu.memref_slice %arg5[%dma_start3A_14, %dma_start3A_20] : memref<512x50xi32, #tpu.memory_space<vmem>> -> memref<1x50xi32, #tpu.memory_space<vmem>>
    %dma_start3A_22 = tpu.memref_squeeze %dma_start3A_21 : memref<1x50xi32, #tpu.memory_space<vmem>> -> memref<50xi32, #tpu.memory_space<vmem>>
    %dma_start3A_23 = arith.constant 0 : i32
    %dma_start3A_24 = arith.constant 0 : i32
    %dma_start3A_25 = tpu.memref_slice %arg3[%dma_start3A_23, %dma_start3A_24] : memref<1000000x64xf32, #tpu.memory_space<hbm>> -> memref<1000000x64xf32, #tpu.memory_space<hbm>>
    tpu.enqueue_indirect_dma source(%dma_start3A_25 : memref<1000000x64xf32, #tpu.memory_space<hbm>>) target(%dma_start3A_19 : memref<50x64xf32, #tpu.memory_space<vmem>>) offsets(%dma_start3A_22 : memref<50xi32, #tpu.memory_space<vmem>>) semaphore(%arg8 : memref<!tpu.dma_semaphore, #tpu.memory_space<semaphore_mem>>)
    %dma_start3A_26 = arith.constant 2 : i32
    %dma_start3A_27 = arith.constant 2 : i32
    %dma_start3A_28 = arith.constant 0 : i32
    %dma_start3A_29 = arith.constant 0 : i32
    %dma_start3A_30 = tpu.memref_slice %arg6[%dma_start3A_27, %dma_start3A_28, %dma_start3A_29] : memref<8x50x64xf32, #tpu.memory_space<vmem>> -> memref<1x50x64xf32, #tpu.memory_space<vmem>>
    %dma_start3A_31 = tpu.memref_squeeze %dma_start3A_30 : memref<1x50x64xf32, #tpu.memory_space<vmem>> -> memref<50x64xf32, #tpu.memory_space<vmem>>
    %dma_start3A_32 = arith.constant 0 : i32
    %dma_start3A_33 = tpu.memref_slice %arg5[%dma_start3A_26, %dma_start3A_32] : memref<512x50xi32, #tpu.memory_space<vmem>> -> memref<1x50xi32, #tpu.memory_space<vmem>>
    %dma_start3A_34 = tpu.memref_squeeze %dma_start3A_33 : memref<1x50xi32, #tpu.memory_space<vmem>> -> memref<50xi32, #tpu.memory_space<vmem>>
    %dma_start3A_35 = arith.constant 0 : i32
    %dma_start3A_36 = arith.constant 0 : i32
    %dma_start3A_37 = tpu.memref_slice %arg3[%dma_start3A_35, %dma_start3A_36] : memref<1000000x64xf32, #tpu.memory_space<hbm>> -> memref<1000000x64xf32, #tpu.memory_space<hbm>>
    tpu.enqueue_indirect_dma source(%dma_start3A_37 : memref<1000000x64xf32, #tpu.memory_space<hbm>>) target(%dma_start3A_31 : memref<50x64xf32, #tpu.memory_space<vmem>>) offsets(%dma_start3A_34 : memref<50xi32, #tpu.memory_space<vmem>>) semaphore(%arg9 : memref<!tpu.dma_semaphore, #tpu.memory_space<semaphore_mem>>)
    %dma_start3A_38 = arith.constant 3 : i32
    %dma_start3A_39 = arith.constant 3 : i32
    %dma_start3A_40 = arith.constant 0 : i32
    %dma_start3A_41 = arith.constant 0 : i32
    %dma_start3A_42 = tpu.memref_slice %arg6[%dma_start3A_39, %dma_start3A_40, %dma_start3A_41] : memref<8x50x64xf32, #tpu.memory_space<vmem>> -> memref<1x50x64xf32, #tpu.memory_space<vmem>>
    %dma_start3A_43 = tpu.memref_squeeze %dma_start3A_42 : memref<1x50x64xf32, #tpu.memory_space<vmem>> -> memref<50x64xf32, #tpu.memory_space<vmem>>
    %dma_start3A_44 = arith.constant 0 : i32
    %dma_start3A_45 = tpu.memref_slice %arg5[%dma_start3A_38, %dma_start3A_44] : memref<512x50xi32, #tpu.memory_space<vmem>> -> memref<1x50xi32, #tpu.memory_space<vmem>>
    %dma_start3A_46 = tpu.memref_squeeze %dma_start3A_45 : memref<1x50xi32, #tpu.memory_space<vmem>> -> memref<50xi32, #tpu.memory_space<vmem>>
    %dma_start3A_47 = arith.constant 0 : i32
    %dma_start3A_48 = arith.constant 0 : i32
    %dma_start3A_49 = tpu.memref_slice %arg3[%dma_start3A_47, %dma_start3A_48] : memref<1000000x64xf32, #tpu.memory_space<hbm>> -> memref<1000000x64xf32, #tpu.memory_space<hbm>>
    tpu.enqueue_indirect_dma source(%dma_start3A_49 : memref<1000000x64xf32, #tpu.memory_space<hbm>>) target(%dma_start3A_43 : memref<50x64xf32, #tpu.memory_space<vmem>>) offsets(%dma_start3A_46 : memref<50xi32, #tpu.memory_space<vmem>>) semaphore(%arg10 : memref<!tpu.dma_semaphore, #tpu.memory_space<semaphore_mem>>)
    %scan3A = arith.constant 0 : i32
    %scan3A_50 = arith.constant 0 : i32
    %scan3A_51 = arith.constant 64 : i32
    %scan3A_52 = arith.addi %scan3A_50, %scan3A_51 : i32
    %scan3A_53 = arith.constant 1 : i32
    %scan3A_54 = scf.for %scan3A_123 = %scan3A_50 to %scan3A_52 step %scan3A_53 iter_args(%scan3A_124 = %scan3A) -> (i32)  : i32 {
      %mul3A_125 = arith.constant 8 : i32
      %mul3A_126 = arith.muli %scan3A_123, %mul3A_125 : i32
      %add3A_127 = arith.constant 0 : i32
      %add3A_128 = arith.addi %mul3A_126, %add3A_127 : i32
      %add3A_129 = arith.constant 4 : i32
      %add3A_130 = arith.addi %add3A_128, %add3A_129 : i32
      %lt3A = arith.constant 512 : i32
      %lt3A_131 = arith.cmpi slt, %add3A_130, %lt3A : i32
      %convert_element_type3A = arith.extui %lt3A_131 : i1 to i32
      %cond3A = arith.constant 0 : i32
      %cond3A_132 = arith.cmpi ne, %convert_element_type3A, %cond3A : i32
      scf.if %cond3A_132 {
        %ge3A = arith.constant 8 : i32
        %ge3A_437 = arith.cmpi sge, %add3A_130, %ge3A : i32
        %convert_element_type3A_438 = arith.extui %ge3A_437 : i1 to i32
        %cond3A_439 = arith.constant 0 : i32
        %cond3A_440 = arith.cmpi ne, %convert_element_type3A_438, %cond3A_439 : i32
        scf.if %cond3A_440 {
          %dma_wait3A_452 = arith.constant 4 : i32
          %dma_wait3A_453 = arith.constant 0 : i32
          %dma_wait3A_454 = arith.constant 0 : i32
          %dma_wait3A_455 = tpu.memref_slice %arg6[%dma_wait3A_452, %dma_wait3A_453, %dma_wait3A_454] : memref<8x50x64xf32, #tpu.memory_space<vmem>> -> memref<1x50x64xf32, #tpu.memory_space<vmem>>
          %dma_wait3A_456 = tpu.memref_squeeze %dma_wait3A_455 : memref<1x50x64xf32, #tpu.memory_space<vmem>> -> memref<50x64xf32, #tpu.memory_space<vmem>>
          %dma_wait3A_457 = arith.constant 0 : i32
          %dma_wait3A_458 = arith.constant 0 : i32
          %dma_wait3A_459 = tpu.memref_slice %arg4[%mul3A_2, %dma_wait3A_457, %dma_wait3A_458] : memref<16384x56x128xf32, #tpu.memory_space<hbm>> -> memref<1x50x64xf32, #tpu.memory_space<hbm>>
          %dma_wait3A_460 = tpu.memref_squeeze %dma_wait3A_459 : memref<1x50x64xf32, #tpu.memory_space<hbm>> -> memref<50x64xf32, #tpu.memory_space<hbm>>
          %dma_wait3A_461 = arith.constant 0 : i32
          %dma_wait3A_462 = arith.constant 0 : i32
          %dma_wait3A_463 = tpu.memref_slice %arg4[%mul3A_2, %dma_wait3A_461, %dma_wait3A_462] : memref<16384x56x128xf32, #tpu.memory_space<hbm>> -> memref<1x50x64xf32, #tpu.memory_space<hbm>>
          %dma_wait3A_464 = tpu.memref_squeeze %dma_wait3A_463 : memref<1x50x64xf32, #tpu.memory_space<hbm>> -> memref<50x64xf32, #tpu.memory_space<hbm>>
          %dma_wait3A_465 = arith.constant 0 : i32
          %dma_wait3A_466 = arith.constant 0 : i32
          %dma_wait3A_467 = tpu.memref_slice %arg6[%dma_wait3A_452, %dma_wait3A_465, %dma_wait3A_466] : memref<8x50x64xf32, #tpu.memory_space<vmem>> -> memref<1x50x64xf32, #tpu.memory_space<vmem>>
          %dma_wait3A_468 = tpu.memref_squeeze %dma_wait3A_467 : memref<1x50x64xf32, #tpu.memory_space<vmem>> -> memref<50x64xf32, #tpu.memory_space<vmem>>
          tpu.wait_dma2 semaphore(%arg19 : memref<!tpu.dma_semaphore, #tpu.memory_space<semaphore_mem>>) src(%dma_wait3A_468 : memref<50x64xf32, #tpu.memory_space<vmem>>) dst(%dma_wait3A_464 : memref<50x64xf32, #tpu.memory_space<hbm>>)
        } else {
        }
        %dma_start3A_441 = arith.constant 4 : i32
        %dma_start3A_442 = arith.constant 0 : i32
        %dma_start3A_443 = arith.constant 0 : i32
        %dma_start3A_444 = tpu.memref_slice %arg6[%dma_start3A_441, %dma_start3A_442, %dma_start3A_443] : memref<8x50x64xf32, #tpu.memory_space<vmem>> -> memref<1x50x64xf32, #tpu.memory_space<vmem>>
        %dma_start3A_445 = tpu.memref_squeeze %dma_start3A_444 : memref<1x50x64xf32, #tpu.memory_space<vmem>> -> memref<50x64xf32, #tpu.memory_space<vmem>>
        %dma_start3A_446 = arith.constant 0 : i32
        %dma_start3A_447 = tpu.memref_slice %arg5[%add3A_130, %dma_start3A_446] : memref<512x50xi32, #tpu.memory_space<vmem>> -> memref<1x50xi32, #tpu.memory_space<vmem>>
        %dma_start3A_448 = tpu.memref_squeeze %dma_start3A_447 : memref<1x50xi32, #tpu.memory_space<vmem>> -> memref<50xi32, #tpu.memory_space<vmem>>
        %dma_start3A_449 = arith.constant 0 : i32
        %dma_start3A_450 = arith.constant 0 : i32
        %dma_start3A_451 = tpu.memref_slice %arg3[%dma_start3A_449, %dma_start3A_450] : memref<1000000x64xf32, #tpu.memory_space<hbm>> -> memref<1000000x64xf32, #tpu.memory_space<hbm>>
        tpu.enqueue_indirect_dma source(%dma_start3A_451 : memref<1000000x64xf32, #tpu.memory_space<hbm>>) target(%dma_start3A_445 : memref<50x64xf32, #tpu.memory_space<vmem>>) offsets(%dma_start3A_448 : memref<50xi32, #tpu.memory_space<vmem>>) semaphore(%arg11 : memref<!tpu.dma_semaphore, #tpu.memory_space<semaphore_mem>>)
      } else {
      }
      %dma_wait3A_133 = arith.constant 0 : i32
      %dma_wait3A_134 = arith.constant 0 : i32
      %dma_wait3A_135 = arith.constant 0 : i32
      %dma_wait3A_136 = arith.constant 0 : i32
      %dma_wait3A_137 = tpu.memref_slice %arg6[%dma_wait3A_134, %dma_wait3A_135, %dma_wait3A_136] : memref<8x50x64xf32, #tpu.memory_space<vmem>> -> memref<1x50x64xf32, #tpu.memory_space<vmem>>
      %dma_wait3A_138 = tpu.memref_squeeze %dma_wait3A_137 : memref<1x50x64xf32, #tpu.memory_space<vmem>> -> memref<50x64xf32, #tpu.memory_space<vmem>>
      %dma_wait3A_139 = arith.constant 0 : i32
      %dma_wait3A_140 = tpu.memref_slice %arg5[%dma_wait3A_133, %dma_wait3A_139] : memref<512x50xi32, #tpu.memory_space<vmem>> -> memref<1x50xi32, #tpu.memory_space<vmem>>
      %dma_wait3A_141 = tpu.memref_squeeze %dma_wait3A_140 : memref<1x50xi32, #tpu.memory_space<vmem>> -> memref<50xi32, #tpu.memory_space<vmem>>
      %dma_wait3A_142 = arith.constant 0 : i32
      %dma_wait3A_143 = arith.constant 0 : i32
      %dma_wait3A_144 = tpu.memref_slice %arg3[%dma_wait3A_142, %dma_wait3A_143] : memref<1000000x64xf32, #tpu.memory_space<hbm>> -> memref<1000000x64xf32, #tpu.memory_space<hbm>>
      tpu.wait_indirect_dma semaphore(%arg7 : memref<!tpu.dma_semaphore, #tpu.memory_space<semaphore_mem>>) src(%dma_wait3A_144 : memref<1000000x64xf32, #tpu.memory_space<hbm>>) dst(%dma_wait3A_138 : memref<50x64xf32, #tpu.memory_space<vmem>>)
      %add3A_145 = arith.addi %mul3A_2, %add3A_128 : i32
      %dma_start3A_146 = arith.constant 0 : i32
      %dma_start3A_147 = arith.constant 0 : i32
      %dma_start3A_148 = arith.constant 0 : i32
      %dma_start3A_149 = tpu.memref_slice %arg6[%dma_start3A_146, %dma_start3A_147, %dma_start3A_148] : memref<8x50x64xf32, #tpu.memory_space<vmem>> -> memref<1x50x64xf32, #tpu.memory_space<vmem>>
      %dma_start3A_150 = tpu.memref_squeeze %dma_start3A_149 : memref<1x50x64xf32, #tpu.memory_space<vmem>> -> memref<50x64xf32, #tpu.memory_space<vmem>>
      %dma_start3A_151 = arith.constant 0 : i32
      %dma_start3A_152 = arith.constant 0 : i32
      %dma_start3A_153 = tpu.memref_slice %arg4[%add3A_145, %dma_start3A_151, %dma_start3A_152] : memref<16384x56x128xf32, #tpu.memory_space<hbm>> -> memref<1x50x64xf32, #tpu.memory_space<hbm>>
      %dma_start3A_154 = tpu.memref_squeeze %dma_start3A_153 : memref<1x50x64xf32, #tpu.memory_space<hbm>> -> memref<50x64xf32, #tpu.memory_space<hbm>>
      %dma_start3A_155 = arith.constant 0 : i32
      %dma_start3A_156 = arith.constant 0 : i32
      %dma_start3A_157 = tpu.memref_slice %arg4[%add3A_145, %dma_start3A_155, %dma_start3A_156] : memref<16384x56x128xf32, #tpu.memory_space<hbm>> -> memref<1x50x64xf32, #tpu.memory_space<hbm>>
      %dma_start3A_158 = tpu.memref_squeeze %dma_start3A_157 : memref<1x50x64xf32, #tpu.memory_space<hbm>> -> memref<50x64xf32, #tpu.memory_space<hbm>>
      %dma_start3A_159 = arith.constant 0 : i32
      %dma_start3A_160 = arith.constant 0 : i32
      %dma_start3A_161 = tpu.memref_slice %arg6[%dma_start3A_146, %dma_start3A_159, %dma_start3A_160] : memref<8x50x64xf32, #tpu.memory_space<vmem>> -> memref<1x50x64xf32, #tpu.memory_space<vmem>>
      %dma_start3A_162 = tpu.memref_squeeze %dma_start3A_161 : memref<1x50x64xf32, #tpu.memory_space<vmem>> -> memref<50x64xf32, #tpu.memory_space<vmem>>
      tpu.enqueue_dma source(%dma_start3A_162 : memref<50x64xf32, #tpu.memory_space<vmem>>) target(%dma_start3A_158 : memref<50x64xf32, #tpu.memory_space<hbm>>) target_semaphore(%arg15 : memref<!tpu.dma_semaphore, #tpu.memory_space<semaphore_mem>>)
      %add3A_163 = arith.constant 1 : i32
      %add3A_164 = arith.addi %mul3A_126, %add3A_163 : i32
      %add3A_165 = arith.constant 4 : i32
      %add3A_166 = arith.addi %add3A_164, %add3A_165 : i32
      %lt3A_167 = arith.constant 512 : i32
      %lt3A_168 = arith.cmpi slt, %add3A_166, %lt3A_167 : i32
      %convert_element_type3A_169 = arith.extui %lt3A_168 : i1 to i32
      %cond3A_170 = arith.constant 0 : i32
      %cond3A_171 = arith.cmpi ne, %convert_element_type3A_169, %cond3A_170 : i32
      scf.if %cond3A_171 {
        %ge3A = arith.constant 8 : i32
        %ge3A_437 = arith.cmpi sge, %add3A_166, %ge3A : i32
        %convert_element_type3A_438 = arith.extui %ge3A_437 : i1 to i32
        %cond3A_439 = arith.constant 0 : i32
        %cond3A_440 = arith.cmpi ne, %convert_element_type3A_438, %cond3A_439 : i32
        scf.if %cond3A_440 {
          %dma_wait3A_452 = arith.constant 5 : i32
          %dma_wait3A_453 = arith.constant 0 : i32
          %dma_wait3A_454 = arith.constant 0 : i32
          %dma_wait3A_455 = tpu.memref_slice %arg6[%dma_wait3A_452, %dma_wait3A_453, %dma_wait3A_454] : memref<8x50x64xf32, #tpu.memory_space<vmem>> -> memref<1x50x64xf32, #tpu.memory_space<vmem>>
          %dma_wait3A_456 = tpu.memref_squeeze %dma_wait3A_455 : memref<1x50x64xf32, #tpu.memory_space<vmem>> -> memref<50x64xf32, #tpu.memory_space<vmem>>
          %dma_wait3A_457 = arith.constant 0 : i32
          %dma_wait3A_458 = arith.constant 0 : i32
          %dma_wait3A_459 = tpu.memref_slice %arg4[%mul3A_2, %dma_wait3A_457, %dma_wait3A_458] : memref<16384x56x128xf32, #tpu.memory_space<hbm>> -> memref<1x50x64xf32, #tpu.memory_space<hbm>>
          %dma_wait3A_460 = tpu.memref_squeeze %dma_wait3A_459 : memref<1x50x64xf32, #tpu.memory_space<hbm>> -> memref<50x64xf32, #tpu.memory_space<hbm>>
          %dma_wait3A_461 = arith.constant 0 : i32
          %dma_wait3A_462 = arith.constant 0 : i32
          %dma_wait3A_463 = tpu.memref_slice %arg4[%mul3A_2, %dma_wait3A_461, %dma_wait3A_462] : memref<16384x56x128xf32, #tpu.memory_space<hbm>> -> memref<1x50x64xf32, #tpu.memory_space<hbm>>
          %dma_wait3A_464 = tpu.memref_squeeze %dma_wait3A_463 : memref<1x50x64xf32, #tpu.memory_space<hbm>> -> memref<50x64xf32, #tpu.memory_space<hbm>>
          %dma_wait3A_465 = arith.constant 0 : i32
          %dma_wait3A_466 = arith.constant 0 : i32
          %dma_wait3A_467 = tpu.memref_slice %arg6[%dma_wait3A_452, %dma_wait3A_465, %dma_wait3A_466] : memref<8x50x64xf32, #tpu.memory_space<vmem>> -> memref<1x50x64xf32, #tpu.memory_space<vmem>>
          %dma_wait3A_468 = tpu.memref_squeeze %dma_wait3A_467 : memref<1x50x64xf32, #tpu.memory_space<vmem>> -> memref<50x64xf32, #tpu.memory_space<vmem>>
          tpu.wait_dma2 semaphore(%arg20 : memref<!tpu.dma_semaphore, #tpu.memory_space<semaphore_mem>>) src(%dma_wait3A_468 : memref<50x64xf32, #tpu.memory_space<vmem>>) dst(%dma_wait3A_464 : memref<50x64xf32, #tpu.memory_space<hbm>>)
        } else {
        }
        %dma_start3A_441 = arith.constant 5 : i32
        %dma_start3A_442 = arith.constant 0 : i32
        %dma_start3A_443 = arith.constant 0 : i32
        %dma_start3A_444 = tpu.memref_slice %arg6[%dma_start3A_441, %dma_start3A_442, %dma_start3A_443] : memref<8x50x64xf32, #tpu.memory_space<vmem>> -> memref<1x50x64xf32, #tpu.memory_space<vmem>>
        %dma_start3A_445 = tpu.memref_squeeze %dma_start3A_444 : memref<1x50x64xf32, #tpu.memory_space<vmem>> -> memref<50x64xf32, #tpu.memory_space<vmem>>
        %dma_start3A_446 = arith.constant 0 : i32
        %dma_start3A_447 = tpu.memref_slice %arg5[%add3A_166, %dma_start3A_446] : memref<512x50xi32, #tpu.memory_space<vmem>> -> memref<1x50xi32, #tpu.memory_space<vmem>>
        %dma_start3A_448 = tpu.memref_squeeze %dma_start3A_447 : memref<1x50xi32, #tpu.memory_space<vmem>> -> memref<50xi32, #tpu.memory_space<vmem>>
        %dma_start3A_449 = arith.constant 0 : i32
        %dma_start3A_450 = arith.constant 0 : i32
        %dma_start3A_451 = tpu.memref_slice %arg3[%dma_start3A_449, %dma_start3A_450] : memref<1000000x64xf32, #tpu.memory_space<hbm>> -> memref<1000000x64xf32, #tpu.memory_space<hbm>>
        tpu.enqueue_indirect_dma source(%dma_start3A_451 : memref<1000000x64xf32, #tpu.memory_space<hbm>>) target(%dma_start3A_445 : memref<50x64xf32, #tpu.memory_space<vmem>>) offsets(%dma_start3A_448 : memref<50xi32, #tpu.memory_space<vmem>>) semaphore(%arg12 : memref<!tpu.dma_semaphore, #tpu.memory_space<semaphore_mem>>)
      } else {
      }
      %dma_wait3A_172 = arith.constant 0 : i32
      %dma_wait3A_173 = arith.constant 1 : i32
      %dma_wait3A_174 = arith.constant 0 : i32
      %dma_wait3A_175 = arith.constant 0 : i32
      %dma_wait3A_176 = tpu.memref_slice %arg6[%dma_wait3A_173, %dma_wait3A_174, %dma_wait3A_175] : memref<8x50x64xf32, #tpu.memory_space<vmem>> -> memref<1x50x64xf32, #tpu.memory_space<vmem>>
      %dma_wait3A_177 = tpu.memref_squeeze %dma_wait3A_176 : memref<1x50x64xf32, #tpu.memory_space<vmem>> -> memref<50x64xf32, #tpu.memory_space<vmem>>
      %dma_wait3A_178 = arith.constant 0 : i32
      %dma_wait3A_179 = tpu.memref_slice %arg5[%dma_wait3A_172, %dma_wait3A_178] : memref<512x50xi32, #tpu.memory_space<vmem>> -> memref<1x50xi32, #tpu.memory_space<vmem>>
      %dma_wait3A_180 = tpu.memref_squeeze %dma_wait3A_179 : memref<1x50xi32, #tpu.memory_space<vmem>> -> memref<50xi32, #tpu.memory_space<vmem>>
      %dma_wait3A_181 = arith.constant 0 : i32
      %dma_wait3A_182 = arith.constant 0 : i32
      %dma_wait3A_183 = tpu.memref_slice %arg3[%dma_wait3A_181, %dma_wait3A_182] : memref<1000000x64xf32, #tpu.memory_space<hbm>> -> memref<1000000x64xf32, #tpu.memory_space<hbm>>
      tpu.wait_indirect_dma semaphore(%arg8 : memref<!tpu.dma_semaphore, #tpu.memory_space<semaphore_mem>>) src(%dma_wait3A_183 : memref<1000000x64xf32, #tpu.memory_space<hbm>>) dst(%dma_wait3A_177 : memref<50x64xf32, #tpu.memory_space<vmem>>)
      %add3A_184 = arith.addi %mul3A_2, %add3A_164 : i32
      %dma_start3A_185 = arith.constant 1 : i32
      %dma_start3A_186 = arith.constant 0 : i32
      %dma_start3A_187 = arith.constant 0 : i32
      %dma_start3A_188 = tpu.memref_slice %arg6[%dma_start3A_185, %dma_start3A_186, %dma_start3A_187] : memref<8x50x64xf32, #tpu.memory_space<vmem>> -> memref<1x50x64xf32, #tpu.memory_space<vmem>>
      %dma_start3A_189 = tpu.memref_squeeze %dma_start3A_188 : memref<1x50x64xf32, #tpu.memory_space<vmem>> -> memref<50x64xf32, #tpu.memory_space<vmem>>
      %dma_start3A_190 = arith.constant 0 : i32
      %dma_start3A_191 = arith.constant 0 : i32
      %dma_start3A_192 = tpu.memref_slice %arg4[%add3A_184, %dma_start3A_190, %dma_start3A_191] : memref<16384x56x128xf32, #tpu.memory_space<hbm>> -> memref<1x50x64xf32, #tpu.memory_space<hbm>>
      %dma_start3A_193 = tpu.memref_squeeze %dma_start3A_192 : memref<1x50x64xf32, #tpu.memory_space<hbm>> -> memref<50x64xf32, #tpu.memory_space<hbm>>
      %dma_start3A_194 = arith.constant 0 : i32
      %dma_start3A_195 = arith.constant 0 : i32
      %dma_start3A_196 = tpu.memref_slice %arg4[%add3A_184, %dma_start3A_194, %dma_start3A_195] : memref<16384x56x128xf32, #tpu.memory_space<hbm>> -> memref<1x50x64xf32, #tpu.memory_space<hbm>>
      %dma_start3A_197 = tpu.memref_squeeze %dma_start3A_196 : memref<1x50x64xf32, #tpu.memory_space<hbm>> -> memref<50x64xf32, #tpu.memory_space<hbm>>
      %dma_start3A_198 = arith.constant 0 : i32
      %dma_start3A_199 = arith.constant 0 : i32
      %dma_start3A_200 = tpu.memref_slice %arg6[%dma_start3A_185, %dma_start3A_198, %dma_start3A_199] : memref<8x50x64xf32, #tpu.memory_space<vmem>> -> memref<1x50x64xf32, #tpu.memory_space<vmem>>
      %dma_start3A_201 = tpu.memref_squeeze %dma_start3A_200 : memref<1x50x64xf32, #tpu.memory_space<vmem>> -> memref<50x64xf32, #tpu.memory_space<vmem>>
      tpu.enqueue_dma source(%dma_start3A_201 : memref<50x64xf32, #tpu.memory_space<vmem>>) target(%dma_start3A_197 : memref<50x64xf32, #tpu.memory_space<hbm>>) target_semaphore(%arg16 : memref<!tpu.dma_semaphore, #tpu.memory_space<semaphore_mem>>)
      %add3A_202 = arith.constant 2 : i32
      %add3A_203 = arith.addi %mul3A_126, %add3A_202 : i32
      %add3A_204 = arith.constant 4 : i32
      %add3A_205 = arith.addi %add3A_203, %add3A_204 : i32
      %lt3A_206 = arith.constant 512 : i32
      %lt3A_207 = arith.cmpi slt, %add3A_205, %lt3A_206 : i32
      %convert_element_type3A_208 = arith.extui %lt3A_207 : i1 to i32
      %cond3A_209 = arith.constant 0 : i32
      %cond3A_210 = arith.cmpi ne, %convert_element_type3A_208, %cond3A_209 : i32
      scf.if %cond3A_210 {
        %ge3A = arith.constant 8 : i32
        %ge3A_437 = arith.cmpi sge, %add3A_205, %ge3A : i32
        %convert_element_type3A_438 = arith.extui %ge3A_437 : i1 to i32
        %cond3A_439 = arith.constant 0 : i32
        %cond3A_440 = arith.cmpi ne, %convert_element_type3A_438, %cond3A_439 : i32
        scf.if %cond3A_440 {
          %dma_wait3A_452 = arith.constant 6 : i32
          %dma_wait3A_453 = arith.constant 0 : i32
          %dma_wait3A_454 = arith.constant 0 : i32
          %dma_wait3A_455 = tpu.memref_slice %arg6[%dma_wait3A_452, %dma_wait3A_453, %dma_wait3A_454] : memref<8x50x64xf32, #tpu.memory_space<vmem>> -> memref<1x50x64xf32, #tpu.memory_space<vmem>>
          %dma_wait3A_456 = tpu.memref_squeeze %dma_wait3A_455 : memref<1x50x64xf32, #tpu.memory_space<vmem>> -> memref<50x64xf32, #tpu.memory_space<vmem>>
          %dma_wait3A_457 = arith.constant 0 : i32
          %dma_wait3A_458 = arith.constant 0 : i32
          %dma_wait3A_459 = tpu.memref_slice %arg4[%mul3A_2, %dma_wait3A_457, %dma_wait3A_458] : memref<16384x56x128xf32, #tpu.memory_space<hbm>> -> memref<1x50x64xf32, #tpu.memory_space<hbm>>
          %dma_wait3A_460 = tpu.memref_squeeze %dma_wait3A_459 : memref<1x50x64xf32, #tpu.memory_space<hbm>> -> memref<50x64xf32, #tpu.memory_space<hbm>>
          %dma_wait3A_461 = arith.constant 0 : i32
          %dma_wait3A_462 = arith.constant 0 : i32
          %dma_wait3A_463 = tpu.memref_slice %arg4[%mul3A_2, %dma_wait3A_461, %dma_wait3A_462] : memref<16384x56x128xf32, #tpu.memory_space<hbm>> -> memref<1x50x64xf32, #tpu.memory_space<hbm>>
          %dma_wait3A_464 = tpu.memref_squeeze %dma_wait3A_463 : memref<1x50x64xf32, #tpu.memory_space<hbm>> -> memref<50x64xf32, #tpu.memory_space<hbm>>
          %dma_wait3A_465 = arith.constant 0 : i32
          %dma_wait3A_466 = arith.constant 0 : i32
          %dma_wait3A_467 = tpu.memref_slice %arg6[%dma_wait3A_452, %dma_wait3A_465, %dma_wait3A_466] : memref<8x50x64xf32, #tpu.memory_space<vmem>> -> memref<1x50x64xf32, #tpu.memory_space<vmem>>
          %dma_wait3A_468 = tpu.memref_squeeze %dma_wait3A_467 : memref<1x50x64xf32, #tpu.memory_space<vmem>> -> memref<50x64xf32, #tpu.memory_space<vmem>>
          tpu.wait_dma2 semaphore(%arg21 : memref<!tpu.dma_semaphore, #tpu.memory_space<semaphore_mem>>) src(%dma_wait3A_468 : memref<50x64xf32, #tpu.memory_space<vmem>>) dst(%dma_wait3A_464 : memref<50x64xf32, #tpu.memory_space<hbm>>)
        } else {
        }
        %dma_start3A_441 = arith.constant 6 : i32
        %dma_start3A_442 = arith.constant 0 : i32
        %dma_start3A_443 = arith.constant 0 : i32
        %dma_start3A_444 = tpu.memref_slice %arg6[%dma_start3A_441, %dma_start3A_442, %dma_start3A_443] : memref<8x50x64xf32, #tpu.memory_space<vmem>> -> memref<1x50x64xf32, #tpu.memory_space<vmem>>
        %dma_start3A_445 = tpu.memref_squeeze %dma_start3A_444 : memref<1x50x64xf32, #tpu.memory_space<vmem>> -> memref<50x64xf32, #tpu.memory_space<vmem>>
        %dma_start3A_446 = arith.constant 0 : i32
        %dma_start3A_447 = tpu.memref_slice %arg5[%add3A_205, %dma_start3A_446] : memref<512x50xi32, #tpu.memory_space<vmem>> -> memref<1x50xi32, #tpu.memory_space<vmem>>
        %dma_start3A_448 = tpu.memref_squeeze %dma_start3A_447 : memref<1x50xi32, #tpu.memory_space<vmem>> -> memref<50xi32, #tpu.memory_space<vmem>>
        %dma_start3A_449 = arith.constant 0 : i32
        %dma_start3A_450 = arith.constant 0 : i32
        %dma_start3A_451 = tpu.memref_slice %arg3[%dma_start3A_449, %dma_start3A_450] : memref<1000000x64xf32, #tpu.memory_space<hbm>> -> memref<1000000x64xf32, #tpu.memory_space<hbm>>
        tpu.enqueue_indirect_dma source(%dma_start3A_451 : memref<1000000x64xf32, #tpu.memory_space<hbm>>) target(%dma_start3A_445 : memref<50x64xf32, #tpu.memory_space<vmem>>) offsets(%dma_start3A_448 : memref<50xi32, #tpu.memory_space<vmem>>) semaphore(%arg13 : memref<!tpu.dma_semaphore, #tpu.memory_space<semaphore_mem>>)
      } else {
      }
      %dma_wait3A_211 = arith.constant 0 : i32
      %dma_wait3A_212 = arith.constant 2 : i32
      %dma_wait3A_213 = arith.constant 0 : i32
      %dma_wait3A_214 = arith.constant 0 : i32
      %dma_wait3A_215 = tpu.memref_slice %arg6[%dma_wait3A_212, %dma_wait3A_213, %dma_wait3A_214] : memref<8x50x64xf32, #tpu.memory_space<vmem>> -> memref<1x50x64xf32, #tpu.memory_space<vmem>>
      %dma_wait3A_216 = tpu.memref_squeeze %dma_wait3A_215 : memref<1x50x64xf32, #tpu.memory_space<vmem>> -> memref<50x64xf32, #tpu.memory_space<vmem>>
      %dma_wait3A_217 = arith.constant 0 : i32
      %dma_wait3A_218 = tpu.memref_slice %arg5[%dma_wait3A_211, %dma_wait3A_217] : memref<512x50xi32, #tpu.memory_space<vmem>> -> memref<1x50xi32, #tpu.memory_space<vmem>>
      %dma_wait3A_219 = tpu.memref_squeeze %dma_wait3A_218 : memref<1x50xi32, #tpu.memory_space<vmem>> -> memref<50xi32, #tpu.memory_space<vmem>>
      %dma_wait3A_220 = arith.constant 0 : i32
      %dma_wait3A_221 = arith.constant 0 : i32
      %dma_wait3A_222 = tpu.memref_slice %arg3[%dma_wait3A_220, %dma_wait3A_221] : memref<1000000x64xf32, #tpu.memory_space<hbm>> -> memref<1000000x64xf32, #tpu.memory_space<hbm>>
      tpu.wait_indirect_dma semaphore(%arg9 : memref<!tpu.dma_semaphore, #tpu.memory_space<semaphore_mem>>) src(%dma_wait3A_222 : memref<1000000x64xf32, #tpu.memory_space<hbm>>) dst(%dma_wait3A_216 : memref<50x64xf32, #tpu.memory_space<vmem>>)
      %add3A_223 = arith.addi %mul3A_2, %add3A_203 : i32
      %dma_start3A_224 = arith.constant 2 : i32
      %dma_start3A_225 = arith.constant 0 : i32
      %dma_start3A_226 = arith.constant 0 : i32
      %dma_start3A_227 = tpu.memref_slice %arg6[%dma_start3A_224, %dma_start3A_225, %dma_start3A_226] : memref<8x50x64xf32, #tpu.memory_space<vmem>> -> memref<1x50x64xf32, #tpu.memory_space<vmem>>
      %dma_start3A_228 = tpu.memref_squeeze %dma_start3A_227 : memref<1x50x64xf32, #tpu.memory_space<vmem>> -> memref<50x64xf32, #tpu.memory_space<vmem>>
      %dma_start3A_229 = arith.constant 0 : i32
      %dma_start3A_230 = arith.constant 0 : i32
      %dma_start3A_231 = tpu.memref_slice %arg4[%add3A_223, %dma_start3A_229, %dma_start3A_230] : memref<16384x56x128xf32, #tpu.memory_space<hbm>> -> memref<1x50x64xf32, #tpu.memory_space<hbm>>
      %dma_start3A_232 = tpu.memref_squeeze %dma_start3A_231 : memref<1x50x64xf32, #tpu.memory_space<hbm>> -> memref<50x64xf32, #tpu.memory_space<hbm>>
      %dma_start3A_233 = arith.constant 0 : i32
      %dma_start3A_234 = arith.constant 0 : i32
      %dma_start3A_235 = tpu.memref_slice %arg4[%add3A_223, %dma_start3A_233, %dma_start3A_234] : memref<16384x56x128xf32, #tpu.memory_space<hbm>> -> memref<1x50x64xf32, #tpu.memory_space<hbm>>
      %dma_start3A_236 = tpu.memref_squeeze %dma_start3A_235 : memref<1x50x64xf32, #tpu.memory_space<hbm>> -> memref<50x64xf32, #tpu.memory_space<hbm>>
      %dma_start3A_237 = arith.constant 0 : i32
      %dma_start3A_238 = arith.constant 0 : i32
      %dma_start3A_239 = tpu.memref_slice %arg6[%dma_start3A_224, %dma_start3A_237, %dma_start3A_238] : memref<8x50x64xf32, #tpu.memory_space<vmem>> -> memref<1x50x64xf32, #tpu.memory_space<vmem>>
      %dma_start3A_240 = tpu.memref_squeeze %dma_start3A_239 : memref<1x50x64xf32, #tpu.memory_space<vmem>> -> memref<50x64xf32, #tpu.memory_space<vmem>>
      tpu.enqueue_dma source(%dma_start3A_240 : memref<50x64xf32, #tpu.memory_space<vmem>>) target(%dma_start3A_236 : memref<50x64xf32, #tpu.memory_space<hbm>>) target_semaphore(%arg17 : memref<!tpu.dma_semaphore, #tpu.memory_space<semaphore_mem>>)
      %add3A_241 = arith.constant 3 : i32
      %add3A_242 = arith.addi %mul3A_126, %add3A_241 : i32
      %add3A_243 = arith.constant 4 : i32
      %add3A_244 = arith.addi %add3A_242, %add3A_243 : i32
      %lt3A_245 = arith.constant 512 : i32
      %lt3A_246 = arith.cmpi slt, %add3A_244, %lt3A_245 : i32
      %convert_element_type3A_247 = arith.extui %lt3A_246 : i1 to i32
      %cond3A_248 = arith.constant 0 : i32
      %cond3A_249 = arith.cmpi ne, %convert_element_type3A_247, %cond3A_248 : i32
      scf.if %cond3A_249 {
        %ge3A = arith.constant 8 : i32
        %ge3A_437 = arith.cmpi sge, %add3A_244, %ge3A : i32
        %convert_element_type3A_438 = arith.extui %ge3A_437 : i1 to i32
        %cond3A_439 = arith.constant 0 : i32
        %cond3A_440 = arith.cmpi ne, %convert_element_type3A_438, %cond3A_439 : i32
        scf.if %cond3A_440 {
          %dma_wait3A_452 = arith.constant 7 : i32
          %dma_wait3A_453 = arith.constant 0 : i32
          %dma_wait3A_454 = arith.constant 0 : i32
          %dma_wait3A_455 = tpu.memref_slice %arg6[%dma_wait3A_452, %dma_wait3A_453, %dma_wait3A_454] : memref<8x50x64xf32, #tpu.memory_space<vmem>> -> memref<1x50x64xf32, #tpu.memory_space<vmem>>
          %dma_wait3A_456 = tpu.memref_squeeze %dma_wait3A_455 : memref<1x50x64xf32, #tpu.memory_space<vmem>> -> memref<50x64xf32, #tpu.memory_space<vmem>>
          %dma_wait3A_457 = arith.constant 0 : i32
          %dma_wait3A_458 = arith.constant 0 : i32
          %dma_wait3A_459 = tpu.memref_slice %arg4[%mul3A_2, %dma_wait3A_457, %dma_wait3A_458] : memref<16384x56x128xf32, #tpu.memory_space<hbm>> -> memref<1x50x64xf32, #tpu.memory_space<hbm>>
          %dma_wait3A_460 = tpu.memref_squeeze %dma_wait3A_459 : memref<1x50x64xf32, #tpu.memory_space<hbm>> -> memref<50x64xf32, #tpu.memory_space<hbm>>
          %dma_wait3A_461 = arith.constant 0 : i32
          %dma_wait3A_462 = arith.constant 0 : i32
          %dma_wait3A_463 = tpu.memref_slice %arg4[%mul3A_2, %dma_wait3A_461, %dma_wait3A_462] : memref<16384x56x128xf32, #tpu.memory_space<hbm>> -> memref<1x50x64xf32, #tpu.memory_space<hbm>>
          %dma_wait3A_464 = tpu.memref_squeeze %dma_wait3A_463 : memref<1x50x64xf32, #tpu.memory_space<hbm>> -> memref<50x64xf32, #tpu.memory_space<hbm>>
          %dma_wait3A_465 = arith.constant 0 : i32
          %dma_wait3A_466 = arith.constant 0 : i32
          %dma_wait3A_467 = tpu.memref_slice %arg6[%dma_wait3A_452, %dma_wait3A_465, %dma_wait3A_466] : memref<8x50x64xf32, #tpu.memory_space<vmem>> -> memref<1x50x64xf32, #tpu.memory_space<vmem>>
          %dma_wait3A_468 = tpu.memref_squeeze %dma_wait3A_467 : memref<1x50x64xf32, #tpu.memory_space<vmem>> -> memref<50x64xf32, #tpu.memory_space<vmem>>
          tpu.wait_dma2 semaphore(%arg22 : memref<!tpu.dma_semaphore, #tpu.memory_space<semaphore_mem>>) src(%dma_wait3A_468 : memref<50x64xf32, #tpu.memory_space<vmem>>) dst(%dma_wait3A_464 : memref<50x64xf32, #tpu.memory_space<hbm>>)
        } else {
        }
        %dma_start3A_441 = arith.constant 7 : i32
        %dma_start3A_442 = arith.constant 0 : i32
        %dma_start3A_443 = arith.constant 0 : i32
        %dma_start3A_444 = tpu.memref_slice %arg6[%dma_start3A_441, %dma_start3A_442, %dma_start3A_443] : memref<8x50x64xf32, #tpu.memory_space<vmem>> -> memref<1x50x64xf32, #tpu.memory_space<vmem>>
        %dma_start3A_445 = tpu.memref_squeeze %dma_start3A_444 : memref<1x50x64xf32, #tpu.memory_space<vmem>> -> memref<50x64xf32, #tpu.memory_space<vmem>>
        %dma_start3A_446 = arith.constant 0 : i32
        %dma_start3A_447 = tpu.memref_slice %arg5[%add3A_244, %dma_start3A_446] : memref<512x50xi32, #tpu.memory_space<vmem>> -> memref<1x50xi32, #tpu.memory_space<vmem>>
        %dma_start3A_448 = tpu.memref_squeeze %dma_start3A_447 : memref<1x50xi32, #tpu.memory_space<vmem>> -> memref<50xi32, #tpu.memory_space<vmem>>
        %dma_start3A_449 = arith.constant 0 : i32
        %dma_start3A_450 = arith.constant 0 : i32
        %dma_start3A_451 = tpu.memref_slice %arg3[%dma_start3A_449, %dma_start3A_450] : memref<1000000x64xf32, #tpu.memory_space<hbm>> -> memref<1000000x64xf32, #tpu.memory_space<hbm>>
        tpu.enqueue_indirect_dma source(%dma_start3A_451 : memref<1000000x64xf32, #tpu.memory_space<hbm>>) target(%dma_start3A_445 : memref<50x64xf32, #tpu.memory_space<vmem>>) offsets(%dma_start3A_448 : memref<50xi32, #tpu.memory_space<vmem>>) semaphore(%arg14 : memref<!tpu.dma_semaphore, #tpu.memory_space<semaphore_mem>>)
      } else {
      }
      %dma_wait3A_250 = arith.constant 0 : i32
      %dma_wait3A_251 = arith.constant 3 : i32
      %dma_wait3A_252 = arith.constant 0 : i32
      %dma_wait3A_253 = arith.constant 0 : i32
      %dma_wait3A_254 = tpu.memref_slice %arg6[%dma_wait3A_251, %dma_wait3A_252, %dma_wait3A_253] : memref<8x50x64xf32, #tpu.memory_space<vmem>> -> memref<1x50x64xf32, #tpu.memory_space<vmem>>
      %dma_wait3A_255 = tpu.memref_squeeze %dma_wait3A_254 : memref<1x50x64xf32, #tpu.memory_space<vmem>> -> memref<50x64xf32, #tpu.memory_space<vmem>>
      %dma_wait3A_256 = arith.constant 0 : i32
      %dma_wait3A_257 = tpu.memref_slice %arg5[%dma_wait3A_250, %dma_wait3A_256] : memref<512x50xi32, #tpu.memory_space<vmem>> -> memref<1x50xi32, #tpu.memory_space<vmem>>
      %dma_wait3A_258 = tpu.memref_squeeze %dma_wait3A_257 : memref<1x50xi32, #tpu.memory_space<vmem>> -> memref<50xi32, #tpu.memory_space<vmem>>
      %dma_wait3A_259 = arith.constant 0 : i32
      %dma_wait3A_260 = arith.constant 0 : i32
      %dma_wait3A_261 = tpu.memref_slice %arg3[%dma_wait3A_259, %dma_wait3A_260] : memref<1000000x64xf32, #tpu.memory_space<hbm>> -> memref<1000000x64xf32, #tpu.memory_space<hbm>>
      tpu.wait_indirect_dma semaphore(%arg10 : memref<!tpu.dma_semaphore, #tpu.memory_space<semaphore_mem>>) src(%dma_wait3A_261 : memref<1000000x64xf32, #tpu.memory_space<hbm>>) dst(%dma_wait3A_255 : memref<50x64xf32, #tpu.memory_space<vmem>>)
      %add3A_262 = arith.addi %mul3A_2, %add3A_242 : i32
      %dma_start3A_263 = arith.constant 3 : i32
      %dma_start3A_264 = arith.constant 0 : i32
      %dma_start3A_265 = arith.constant 0 : i32
      %dma_start3A_266 = tpu.memref_slice %arg6[%dma_start3A_263, %dma_start3A_264, %dma_start3A_265] : memref<8x50x64xf32, #tpu.memory_space<vmem>> -> memref<1x50x64xf32, #tpu.memory_space<vmem>>
      %dma_start3A_267 = tpu.memref_squeeze %dma_start3A_266 : memref<1x50x64xf32, #tpu.memory_space<vmem>> -> memref<50x64xf32, #tpu.memory_space<vmem>>
      %dma_start3A_268 = arith.constant 0 : i32
      %dma_start3A_269 = arith.constant 0 : i32
      %dma_start3A_270 = tpu.memref_slice %arg4[%add3A_262, %dma_start3A_268, %dma_start3A_269] : memref<16384x56x128xf32, #tpu.memory_space<hbm>> -> memref<1x50x64xf32, #tpu.memory_space<hbm>>
      %dma_start3A_271 = tpu.memref_squeeze %dma_start3A_270 : memref<1x50x64xf32, #tpu.memory_space<hbm>> -> memref<50x64xf32, #tpu.memory_space<hbm>>
      %dma_start3A_272 = arith.constant 0 : i32
      %dma_start3A_273 = arith.constant 0 : i32
      %dma_start3A_274 = tpu.memref_slice %arg4[%add3A_262, %dma_start3A_272, %dma_start3A_273] : memref<16384x56x128xf32, #tpu.memory_space<hbm>> -> memref<1x50x64xf32, #tpu.memory_space<hbm>>
      %dma_start3A_275 = tpu.memref_squeeze %dma_start3A_274 : memref<1x50x64xf32, #tpu.memory_space<hbm>> -> memref<50x64xf32, #tpu.memory_space<hbm>>
      %dma_start3A_276 = arith.constant 0 : i32
      %dma_start3A_277 = arith.constant 0 : i32
      %dma_start3A_278 = tpu.memref_slice %arg6[%dma_start3A_263, %dma_start3A_276, %dma_start3A_277] : memref<8x50x64xf32, #tpu.memory_space<vmem>> -> memref<1x50x64xf32, #tpu.memory_space<vmem>>
      %dma_start3A_279 = tpu.memref_squeeze %dma_start3A_278 : memref<1x50x64xf32, #tpu.memory_space<vmem>> -> memref<50x64xf32, #tpu.memory_space<vmem>>
      tpu.enqueue_dma source(%dma_start3A_279 : memref<50x64xf32, #tpu.memory_space<vmem>>) target(%dma_start3A_275 : memref<50x64xf32, #tpu.memory_space<hbm>>) target_semaphore(%arg18 : memref<!tpu.dma_semaphore, #tpu.memory_space<semaphore_mem>>)
      %add3A_280 = arith.constant 4 : i32
      %add3A_281 = arith.addi %mul3A_126, %add3A_280 : i32
      %add3A_282 = arith.constant 4 : i32
      %add3A_283 = arith.addi %add3A_281, %add3A_282 : i32
      %lt3A_284 = arith.constant 512 : i32
      %lt3A_285 = arith.cmpi slt, %add3A_283, %lt3A_284 : i32
      %convert_element_type3A_286 = arith.extui %lt3A_285 : i1 to i32
      %cond3A_287 = arith.constant 0 : i32
      %cond3A_288 = arith.cmpi ne, %convert_element_type3A_286, %cond3A_287 : i32
      scf.if %cond3A_288 {
        %ge3A = arith.constant 8 : i32
        %ge3A_437 = arith.cmpi sge, %add3A_283, %ge3A : i32
        %convert_element_type3A_438 = arith.extui %ge3A_437 : i1 to i32
        %cond3A_439 = arith.constant 0 : i32
        %cond3A_440 = arith.cmpi ne, %convert_element_type3A_438, %cond3A_439 : i32
        scf.if %cond3A_440 {
          %dma_wait3A_452 = arith.constant 0 : i32
          %dma_wait3A_453 = arith.constant 0 : i32
          %dma_wait3A_454 = arith.constant 0 : i32
          %dma_wait3A_455 = tpu.memref_slice %arg6[%dma_wait3A_452, %dma_wait3A_453, %dma_wait3A_454] : memref<8x50x64xf32, #tpu.memory_space<vmem>> -> memref<1x50x64xf32, #tpu.memory_space<vmem>>
          %dma_wait3A_456 = tpu.memref_squeeze %dma_wait3A_455 : memref<1x50x64xf32, #tpu.memory_space<vmem>> -> memref<50x64xf32, #tpu.memory_space<vmem>>
          %dma_wait3A_457 = arith.constant 0 : i32
          %dma_wait3A_458 = arith.constant 0 : i32
          %dma_wait3A_459 = tpu.memref_slice %arg4[%mul3A_2, %dma_wait3A_457, %dma_wait3A_458] : memref<16384x56x128xf32, #tpu.memory_space<hbm>> -> memref<1x50x64xf32, #tpu.memory_space<hbm>>
          %dma_wait3A_460 = tpu.memref_squeeze %dma_wait3A_459 : memref<1x50x64xf32, #tpu.memory_space<hbm>> -> memref<50x64xf32, #tpu.memory_space<hbm>>
          %dma_wait3A_461 = arith.constant 0 : i32
          %dma_wait3A_462 = arith.constant 0 : i32
          %dma_wait3A_463 = tpu.memref_slice %arg4[%mul3A_2, %dma_wait3A_461, %dma_wait3A_462] : memref<16384x56x128xf32, #tpu.memory_space<hbm>> -> memref<1x50x64xf32, #tpu.memory_space<hbm>>
          %dma_wait3A_464 = tpu.memref_squeeze %dma_wait3A_463 : memref<1x50x64xf32, #tpu.memory_space<hbm>> -> memref<50x64xf32, #tpu.memory_space<hbm>>
          %dma_wait3A_465 = arith.constant 0 : i32
          %dma_wait3A_466 = arith.constant 0 : i32
          %dma_wait3A_467 = tpu.memref_slice %arg6[%dma_wait3A_452, %dma_wait3A_465, %dma_wait3A_466] : memref<8x50x64xf32, #tpu.memory_space<vmem>> -> memref<1x50x64xf32, #tpu.memory_space<vmem>>
          %dma_wait3A_468 = tpu.memref_squeeze %dma_wait3A_467 : memref<1x50x64xf32, #tpu.memory_space<vmem>> -> memref<50x64xf32, #tpu.memory_space<vmem>>
          tpu.wait_dma2 semaphore(%arg15 : memref<!tpu.dma_semaphore, #tpu.memory_space<semaphore_mem>>) src(%dma_wait3A_468 : memref<50x64xf32, #tpu.memory_space<vmem>>) dst(%dma_wait3A_464 : memref<50x64xf32, #tpu.memory_space<hbm>>)
        } else {
        }
        %dma_start3A_441 = arith.constant 0 : i32
        %dma_start3A_442 = arith.constant 0 : i32
        %dma_start3A_443 = arith.constant 0 : i32
        %dma_start3A_444 = tpu.memref_slice %arg6[%dma_start3A_441, %dma_start3A_442, %dma_start3A_443] : memref<8x50x64xf32, #tpu.memory_space<vmem>> -> memref<1x50x64xf32, #tpu.memory_space<vmem>>
        %dma_start3A_445 = tpu.memref_squeeze %dma_start3A_444 : memref<1x50x64xf32, #tpu.memory_space<vmem>> -> memref<50x64xf32, #tpu.memory_space<vmem>>
        %dma_start3A_446 = arith.constant 0 : i32
        %dma_start3A_447 = tpu.memref_slice %arg5[%add3A_283, %dma_start3A_446] : memref<512x50xi32, #tpu.memory_space<vmem>> -> memref<1x50xi32, #tpu.memory_space<vmem>>
        %dma_start3A_448 = tpu.memref_squeeze %dma_start3A_447 : memref<1x50xi32, #tpu.memory_space<vmem>> -> memref<50xi32, #tpu.memory_space<vmem>>
        %dma_start3A_449 = arith.constant 0 : i32
        %dma_start3A_450 = arith.constant 0 : i32
        %dma_start3A_451 = tpu.memref_slice %arg3[%dma_start3A_449, %dma_start3A_450] : memref<1000000x64xf32, #tpu.memory_space<hbm>> -> memref<1000000x64xf32, #tpu.memory_space<hbm>>
        tpu.enqueue_indirect_dma source(%dma_start3A_451 : memref<1000000x64xf32, #tpu.memory_space<hbm>>) target(%dma_start3A_445 : memref<50x64xf32, #tpu.memory_space<vmem>>) offsets(%dma_start3A_448 : memref<50xi32, #tpu.memory_space<vmem>>) semaphore(%arg7 : memref<!tpu.dma_semaphore, #tpu.memory_space<semaphore_mem>>)
      } else {
      }
      %dma_wait3A_289 = arith.constant 0 : i32
      %dma_wait3A_290 = arith.constant 4 : i32
      %dma_wait3A_291 = arith.constant 0 : i32
      %dma_wait3A_292 = arith.constant 0 : i32
      %dma_wait3A_293 = tpu.memref_slice %arg6[%dma_wait3A_290, %dma_wait3A_291, %dma_wait3A_292] : memref<8x50x64xf32, #tpu.memory_space<vmem>> -> memref<1x50x64xf32, #tpu.memory_space<vmem>>
      %dma_wait3A_294 = tpu.memref_squeeze %dma_wait3A_293 : memref<1x50x64xf32, #tpu.memory_space<vmem>> -> memref<50x64xf32, #tpu.memory_space<vmem>>
      %dma_wait3A_295 = arith.constant 0 : i32
      %dma_wait3A_296 = tpu.memref_slice %arg5[%dma_wait3A_289, %dma_wait3A_295] : memref<512x50xi32, #tpu.memory_space<vmem>> -> memref<1x50xi32, #tpu.memory_space<vmem>>
      %dma_wait3A_297 = tpu.memref_squeeze %dma_wait3A_296 : memref<1x50xi32, #tpu.memory_space<vmem>> -> memref<50xi32, #tpu.memory_space<vmem>>
      %dma_wait3A_298 = arith.constant 0 : i32
      %dma_wait3A_299 = arith.constant 0 : i32
      %dma_wait3A_300 = tpu.memref_slice %arg3[%dma_wait3A_298, %dma_wait3A_299] : memref<1000000x64xf32, #tpu.memory_space<hbm>> -> memref<1000000x64xf32, #tpu.memory_space<hbm>>
      tpu.wait_indirect_dma semaphore(%arg11 : memref<!tpu.dma_semaphore, #tpu.memory_space<semaphore_mem>>) src(%dma_wait3A_300 : memref<1000000x64xf32, #tpu.memory_space<hbm>>) dst(%dma_wait3A_294 : memref<50x64xf32, #tpu.memory_space<vmem>>)
      %add3A_301 = arith.addi %mul3A_2, %add3A_281 : i32
      %dma_start3A_302 = arith.constant 4 : i32
      %dma_start3A_303 = arith.constant 0 : i32
      %dma_start3A_304 = arith.constant 0 : i32
      %dma_start3A_305 = tpu.memref_slice %arg6[%dma_start3A_302, %dma_start3A_303, %dma_start3A_304] : memref<8x50x64xf32, #tpu.memory_space<vmem>> -> memref<1x50x64xf32, #tpu.memory_space<vmem>>
      %dma_start3A_306 = tpu.memref_squeeze %dma_start3A_305 : memref<1x50x64xf32, #tpu.memory_space<vmem>> -> memref<50x64xf32, #tpu.memory_space<vmem>>
      %dma_start3A_307 = arith.constant 0 : i32
      %dma_start3A_308 = arith.constant 0 : i32
      %dma_start3A_309 = tpu.memref_slice %arg4[%add3A_301, %dma_start3A_307, %dma_start3A_308] : memref<16384x56x128xf32, #tpu.memory_space<hbm>> -> memref<1x50x64xf32, #tpu.memory_space<hbm>>
      %dma_start3A_310 = tpu.memref_squeeze %dma_start3A_309 : memref<1x50x64xf32, #tpu.memory_space<hbm>> -> memref<50x64xf32, #tpu.memory_space<hbm>>
      %dma_start3A_311 = arith.constant 0 : i32
      %dma_start3A_312 = arith.constant 0 : i32
      %dma_start3A_313 = tpu.memref_slice %arg4[%add3A_301, %dma_start3A_311, %dma_start3A_312] : memref<16384x56x128xf32, #tpu.memory_space<hbm>> -> memref<1x50x64xf32, #tpu.memory_space<hbm>>
      %dma_start3A_314 = tpu.memref_squeeze %dma_start3A_313 : memref<1x50x64xf32, #tpu.memory_space<hbm>> -> memref<50x64xf32, #tpu.memory_space<hbm>>
      %dma_start3A_315 = arith.constant 0 : i32
      %dma_start3A_316 = arith.constant 0 : i32
      %dma_start3A_317 = tpu.memref_slice %arg6[%dma_start3A_302, %dma_start3A_315, %dma_start3A_316] : memref<8x50x64xf32, #tpu.memory_space<vmem>> -> memref<1x50x64xf32, #tpu.memory_space<vmem>>
      %dma_start3A_318 = tpu.memref_squeeze %dma_start3A_317 : memref<1x50x64xf32, #tpu.memory_space<vmem>> -> memref<50x64xf32, #tpu.memory_space<vmem>>
      tpu.enqueue_dma source(%dma_start3A_318 : memref<50x64xf32, #tpu.memory_space<vmem>>) target(%dma_start3A_314 : memref<50x64xf32, #tpu.memory_space<hbm>>) target_semaphore(%arg19 : memref<!tpu.dma_semaphore, #tpu.memory_space<semaphore_mem>>)
      %add3A_319 = arith.constant 5 : i32
      %add3A_320 = arith.addi %mul3A_126, %add3A_319 : i32
      %add3A_321 = arith.constant 4 : i32
      %add3A_322 = arith.addi %add3A_320, %add3A_321 : i32
      %lt3A_323 = arith.constant 512 : i32
      %lt3A_324 = arith.cmpi slt, %add3A_322, %lt3A_323 : i32
      %convert_element_type3A_325 = arith.extui %lt3A_324 : i1 to i32
      %cond3A_326 = arith.constant 0 : i32
      %cond3A_327 = arith.cmpi ne, %convert_element_type3A_325, %cond3A_326 : i32
      scf.if %cond3A_327 {
        %ge3A = arith.constant 8 : i32
        %ge3A_437 = arith.cmpi sge, %add3A_322, %ge3A : i32
        %convert_element_type3A_438 = arith.extui %ge3A_437 : i1 to i32
        %cond3A_439 = arith.constant 0 : i32
        %cond3A_440 = arith.cmpi ne, %convert_element_type3A_438, %cond3A_439 : i32
        scf.if %cond3A_440 {
          %dma_wait3A_452 = arith.constant 1 : i32
          %dma_wait3A_453 = arith.constant 0 : i32
          %dma_wait3A_454 = arith.constant 0 : i32
          %dma_wait3A_455 = tpu.memref_slice %arg6[%dma_wait3A_452, %dma_wait3A_453, %dma_wait3A_454] : memref<8x50x64xf32, #tpu.memory_space<vmem>> -> memref<1x50x64xf32, #tpu.memory_space<vmem>>
          %dma_wait3A_456 = tpu.memref_squeeze %dma_wait3A_455 : memref<1x50x64xf32, #tpu.memory_space<vmem>> -> memref<50x64xf32, #tpu.memory_space<vmem>>
          %dma_wait3A_457 = arith.constant 0 : i32
          %dma_wait3A_458 = arith.constant 0 : i32
          %dma_wait3A_459 = tpu.memref_slice %arg4[%mul3A_2, %dma_wait3A_457, %dma_wait3A_458] : memref<16384x56x128xf32, #tpu.memory_space<hbm>> -> memref<1x50x64xf32, #tpu.memory_space<hbm>>
          %dma_wait3A_460 = tpu.memref_squeeze %dma_wait3A_459 : memref<1x50x64xf32, #tpu.memory_space<hbm>> -> memref<50x64xf32, #tpu.memory_space<hbm>>
          %dma_wait3A_461 = arith.constant 0 : i32
          %dma_wait3A_462 = arith.constant 0 : i32
          %dma_wait3A_463 = tpu.memref_slice %arg4[%mul3A_2, %dma_wait3A_461, %dma_wait3A_462] : memref<16384x56x128xf32, #tpu.memory_space<hbm>> -> memref<1x50x64xf32, #tpu.memory_space<hbm>>
          %dma_wait3A_464 = tpu.memref_squeeze %dma_wait3A_463 : memref<1x50x64xf32, #tpu.memory_space<hbm>> -> memref<50x64xf32, #tpu.memory_space<hbm>>
          %dma_wait3A_465 = arith.constant 0 : i32
          %dma_wait3A_466 = arith.constant 0 : i32
          %dma_wait3A_467 = tpu.memref_slice %arg6[%dma_wait3A_452, %dma_wait3A_465, %dma_wait3A_466] : memref<8x50x64xf32, #tpu.memory_space<vmem>> -> memref<1x50x64xf32, #tpu.memory_space<vmem>>
          %dma_wait3A_468 = tpu.memref_squeeze %dma_wait3A_467 : memref<1x50x64xf32, #tpu.memory_space<vmem>> -> memref<50x64xf32, #tpu.memory_space<vmem>>
          tpu.wait_dma2 semaphore(%arg16 : memref<!tpu.dma_semaphore, #tpu.memory_space<semaphore_mem>>) src(%dma_wait3A_468 : memref<50x64xf32, #tpu.memory_space<vmem>>) dst(%dma_wait3A_464 : memref<50x64xf32, #tpu.memory_space<hbm>>)
        } else {
        }
        %dma_start3A_441 = arith.constant 1 : i32
        %dma_start3A_442 = arith.constant 0 : i32
        %dma_start3A_443 = arith.constant 0 : i32
        %dma_start3A_444 = tpu.memref_slice %arg6[%dma_start3A_441, %dma_start3A_442, %dma_start3A_443] : memref<8x50x64xf32, #tpu.memory_space<vmem>> -> memref<1x50x64xf32, #tpu.memory_space<vmem>>
        %dma_start3A_445 = tpu.memref_squeeze %dma_start3A_444 : memref<1x50x64xf32, #tpu.memory_space<vmem>> -> memref<50x64xf32, #tpu.memory_space<vmem>>
        %dma_start3A_446 = arith.constant 0 : i32
        %dma_start3A_447 = tpu.memref_slice %arg5[%add3A_322, %dma_start3A_446] : memref<512x50xi32, #tpu.memory_space<vmem>> -> memref<1x50xi32, #tpu.memory_space<vmem>>
        %dma_start3A_448 = tpu.memref_squeeze %dma_start3A_447 : memref<1x50xi32, #tpu.memory_space<vmem>> -> memref<50xi32, #tpu.memory_space<vmem>>
        %dma_start3A_449 = arith.constant 0 : i32
        %dma_start3A_450 = arith.constant 0 : i32
        %dma_start3A_451 = tpu.memref_slice %arg3[%dma_start3A_449, %dma_start3A_450] : memref<1000000x64xf32, #tpu.memory_space<hbm>> -> memref<1000000x64xf32, #tpu.memory_space<hbm>>
        tpu.enqueue_indirect_dma source(%dma_start3A_451 : memref<1000000x64xf32, #tpu.memory_space<hbm>>) target(%dma_start3A_445 : memref<50x64xf32, #tpu.memory_space<vmem>>) offsets(%dma_start3A_448 : memref<50xi32, #tpu.memory_space<vmem>>) semaphore(%arg8 : memref<!tpu.dma_semaphore, #tpu.memory_space<semaphore_mem>>)
      } else {
      }
      %dma_wait3A_328 = arith.constant 0 : i32
      %dma_wait3A_329 = arith.constant 5 : i32
      %dma_wait3A_330 = arith.constant 0 : i32
      %dma_wait3A_331 = arith.constant 0 : i32
      %dma_wait3A_332 = tpu.memref_slice %arg6[%dma_wait3A_329, %dma_wait3A_330, %dma_wait3A_331] : memref<8x50x64xf32, #tpu.memory_space<vmem>> -> memref<1x50x64xf32, #tpu.memory_space<vmem>>
      %dma_wait3A_333 = tpu.memref_squeeze %dma_wait3A_332 : memref<1x50x64xf32, #tpu.memory_space<vmem>> -> memref<50x64xf32, #tpu.memory_space<vmem>>
      %dma_wait3A_334 = arith.constant 0 : i32
      %dma_wait3A_335 = tpu.memref_slice %arg5[%dma_wait3A_328, %dma_wait3A_334] : memref<512x50xi32, #tpu.memory_space<vmem>> -> memref<1x50xi32, #tpu.memory_space<vmem>>
      %dma_wait3A_336 = tpu.memref_squeeze %dma_wait3A_335 : memref<1x50xi32, #tpu.memory_space<vmem>> -> memref<50xi32, #tpu.memory_space<vmem>>
      %dma_wait3A_337 = arith.constant 0 : i32
      %dma_wait3A_338 = arith.constant 0 : i32
      %dma_wait3A_339 = tpu.memref_slice %arg3[%dma_wait3A_337, %dma_wait3A_338] : memref<1000000x64xf32, #tpu.memory_space<hbm>> -> memref<1000000x64xf32, #tpu.memory_space<hbm>>
      tpu.wait_indirect_dma semaphore(%arg12 : memref<!tpu.dma_semaphore, #tpu.memory_space<semaphore_mem>>) src(%dma_wait3A_339 : memref<1000000x64xf32, #tpu.memory_space<hbm>>) dst(%dma_wait3A_333 : memref<50x64xf32, #tpu.memory_space<vmem>>)
      %add3A_340 = arith.addi %mul3A_2, %add3A_320 : i32
      %dma_start3A_341 = arith.constant 5 : i32
      %dma_start3A_342 = arith.constant 0 : i32
      %dma_start3A_343 = arith.constant 0 : i32
      %dma_start3A_344 = tpu.memref_slice %arg6[%dma_start3A_341, %dma_start3A_342, %dma_start3A_343] : memref<8x50x64xf32, #tpu.memory_space<vmem>> -> memref<1x50x64xf32, #tpu.memory_space<vmem>>
      %dma_start3A_345 = tpu.memref_squeeze %dma_start3A_344 : memref<1x50x64xf32, #tpu.memory_space<vmem>> -> memref<50x64xf32, #tpu.memory_space<vmem>>
      %dma_start3A_346 = arith.constant 0 : i32
      %dma_start3A_347 = arith.constant 0 : i32
      %dma_start3A_348 = tpu.memref_slice %arg4[%add3A_340, %dma_start3A_346, %dma_start3A_347] : memref<16384x56x128xf32, #tpu.memory_space<hbm>> -> memref<1x50x64xf32, #tpu.memory_space<hbm>>
      %dma_start3A_349 = tpu.memref_squeeze %dma_start3A_348 : memref<1x50x64xf32, #tpu.memory_space<hbm>> -> memref<50x64xf32, #tpu.memory_space<hbm>>
      %dma_start3A_350 = arith.constant 0 : i32
      %dma_start3A_351 = arith.constant 0 : i32
      %dma_start3A_352 = tpu.memref_slice %arg4[%add3A_340, %dma_start3A_350, %dma_start3A_351] : memref<16384x56x128xf32, #tpu.memory_space<hbm>> -> memref<1x50x64xf32, #tpu.memory_space<hbm>>
      %dma_start3A_353 = tpu.memref_squeeze %dma_start3A_352 : memref<1x50x64xf32, #tpu.memory_space<hbm>> -> memref<50x64xf32, #tpu.memory_space<hbm>>
      %dma_start3A_354 = arith.constant 0 : i32
      %dma_start3A_355 = arith.constant 0 : i32
      %dma_start3A_356 = tpu.memref_slice %arg6[%dma_start3A_341, %dma_start3A_354, %dma_start3A_355] : memref<8x50x64xf32, #tpu.memory_space<vmem>> -> memref<1x50x64xf32, #tpu.memory_space<vmem>>
      %dma_start3A_357 = tpu.memref_squeeze %dma_start3A_356 : memref<1x50x64xf32, #tpu.memory_space<vmem>> -> memref<50x64xf32, #tpu.memory_space<vmem>>
      tpu.enqueue_dma source(%dma_start3A_357 : memref<50x64xf32, #tpu.memory_space<vmem>>) target(%dma_start3A_353 : memref<50x64xf32, #tpu.memory_space<hbm>>) target_semaphore(%arg20 : memref<!tpu.dma_semaphore, #tpu.memory_space<semaphore_mem>>)
      %add3A_358 = arith.constant 6 : i32
      %add3A_359 = arith.addi %mul3A_126, %add3A_358 : i32
      %add3A_360 = arith.constant 4 : i32
      %add3A_361 = arith.addi %add3A_359, %add3A_360 : i32
      %lt3A_362 = arith.constant 512 : i32
      %lt3A_363 = arith.cmpi slt, %add3A_361, %lt3A_362 : i32
      %convert_element_type3A_364 = arith.extui %lt3A_363 : i1 to i32
      %cond3A_365 = arith.constant 0 : i32
      %cond3A_366 = arith.cmpi ne, %convert_element_type3A_364, %cond3A_365 : i32
      scf.if %cond3A_366 {
        %ge3A = arith.constant 8 : i32
        %ge3A_437 = arith.cmpi sge, %add3A_361, %ge3A : i32
        %convert_element_type3A_438 = arith.extui %ge3A_437 : i1 to i32
        %cond3A_439 = arith.constant 0 : i32
        %cond3A_440 = arith.cmpi ne, %convert_element_type3A_438, %cond3A_439 : i32
        scf.if %cond3A_440 {
          %dma_wait3A_452 = arith.constant 2 : i32
          %dma_wait3A_453 = arith.constant 0 : i32
          %dma_wait3A_454 = arith.constant 0 : i32
          %dma_wait3A_455 = tpu.memref_slice %arg6[%dma_wait3A_452, %dma_wait3A_453, %dma_wait3A_454] : memref<8x50x64xf32, #tpu.memory_space<vmem>> -> memref<1x50x64xf32, #tpu.memory_space<vmem>>
          %dma_wait3A_456 = tpu.memref_squeeze %dma_wait3A_455 : memref<1x50x64xf32, #tpu.memory_space<vmem>> -> memref<50x64xf32, #tpu.memory_space<vmem>>
          %dma_wait3A_457 = arith.constant 0 : i32
          %dma_wait3A_458 = arith.constant 0 : i32
          %dma_wait3A_459 = tpu.memref_slice %arg4[%mul3A_2, %dma_wait3A_457, %dma_wait3A_458] : memref<16384x56x128xf32, #tpu.memory_space<hbm>> -> memref<1x50x64xf32, #tpu.memory_space<hbm>>
          %dma_wait3A_460 = tpu.memref_squeeze %dma_wait3A_459 : memref<1x50x64xf32, #tpu.memory_space<hbm>> -> memref<50x64xf32, #tpu.memory_space<hbm>>
          %dma_wait3A_461 = arith.constant 0 : i32
          %dma_wait3A_462 = arith.constant 0 : i32
          %dma_wait3A_463 = tpu.memref_slice %arg4[%mul3A_2, %dma_wait3A_461, %dma_wait3A_462] : memref<16384x56x128xf32, #tpu.memory_space<hbm>> -> memref<1x50x64xf32, #tpu.memory_space<hbm>>
          %dma_wait3A_464 = tpu.memref_squeeze %dma_wait3A_463 : memref<1x50x64xf32, #tpu.memory_space<hbm>> -> memref<50x64xf32, #tpu.memory_space<hbm>>
          %dma_wait3A_465 = arith.constant 0 : i32
          %dma_wait3A_466 = arith.constant 0 : i32
          %dma_wait3A_467 = tpu.memref_slice %arg6[%dma_wait3A_452, %dma_wait3A_465, %dma_wait3A_466] : memref<8x50x64xf32, #tpu.memory_space<vmem>> -> memref<1x50x64xf32, #tpu.memory_space<vmem>>
          %dma_wait3A_468 = tpu.memref_squeeze %dma_wait3A_467 : memref<1x50x64xf32, #tpu.memory_space<vmem>> -> memref<50x64xf32, #tpu.memory_space<vmem>>
          tpu.wait_dma2 semaphore(%arg17 : memref<!tpu.dma_semaphore, #tpu.memory_space<semaphore_mem>>) src(%dma_wait3A_468 : memref<50x64xf32, #tpu.memory_space<vmem>>) dst(%dma_wait3A_464 : memref<50x64xf32, #tpu.memory_space<hbm>>)
        } else {
        }
        %dma_start3A_441 = arith.constant 2 : i32
        %dma_start3A_442 = arith.constant 0 : i32
        %dma_start3A_443 = arith.constant 0 : i32
        %dma_start3A_444 = tpu.memref_slice %arg6[%dma_start3A_441, %dma_start3A_442, %dma_start3A_443] : memref<8x50x64xf32, #tpu.memory_space<vmem>> -> memref<1x50x64xf32, #tpu.memory_space<vmem>>
        %dma_start3A_445 = tpu.memref_squeeze %dma_start3A_444 : memref<1x50x64xf32, #tpu.memory_space<vmem>> -> memref<50x64xf32, #tpu.memory_space<vmem>>
        %dma_start3A_446 = arith.constant 0 : i32
        %dma_start3A_447 = tpu.memref_slice %arg5[%add3A_361, %dma_start3A_446] : memref<512x50xi32, #tpu.memory_space<vmem>> -> memref<1x50xi32, #tpu.memory_space<vmem>>
        %dma_start3A_448 = tpu.memref_squeeze %dma_start3A_447 : memref<1x50xi32, #tpu.memory_space<vmem>> -> memref<50xi32, #tpu.memory_space<vmem>>
        %dma_start3A_449 = arith.constant 0 : i32
        %dma_start3A_450 = arith.constant 0 : i32
        %dma_start3A_451 = tpu.memref_slice %arg3[%dma_start3A_449, %dma_start3A_450] : memref<1000000x64xf32, #tpu.memory_space<hbm>> -> memref<1000000x64xf32, #tpu.memory_space<hbm>>
        tpu.enqueue_indirect_dma source(%dma_start3A_451 : memref<1000000x64xf32, #tpu.memory_space<hbm>>) target(%dma_start3A_445 : memref<50x64xf32, #tpu.memory_space<vmem>>) offsets(%dma_start3A_448 : memref<50xi32, #tpu.memory_space<vmem>>) semaphore(%arg9 : memref<!tpu.dma_semaphore, #tpu.memory_space<semaphore_mem>>)
      } else {
      }
      %dma_wait3A_367 = arith.constant 0 : i32
      %dma_wait3A_368 = arith.constant 6 : i32
      %dma_wait3A_369 = arith.constant 0 : i32
      %dma_wait3A_370 = arith.constant 0 : i32
      %dma_wait3A_371 = tpu.memref_slice %arg6[%dma_wait3A_368, %dma_wait3A_369, %dma_wait3A_370] : memref<8x50x64xf32, #tpu.memory_space<vmem>> -> memref<1x50x64xf32, #tpu.memory_space<vmem>>
      %dma_wait3A_372 = tpu.memref_squeeze %dma_wait3A_371 : memref<1x50x64xf32, #tpu.memory_space<vmem>> -> memref<50x64xf32, #tpu.memory_space<vmem>>
      %dma_wait3A_373 = arith.constant 0 : i32
      %dma_wait3A_374 = tpu.memref_slice %arg5[%dma_wait3A_367, %dma_wait3A_373] : memref<512x50xi32, #tpu.memory_space<vmem>> -> memref<1x50xi32, #tpu.memory_space<vmem>>
      %dma_wait3A_375 = tpu.memref_squeeze %dma_wait3A_374 : memref<1x50xi32, #tpu.memory_space<vmem>> -> memref<50xi32, #tpu.memory_space<vmem>>
      %dma_wait3A_376 = arith.constant 0 : i32
      %dma_wait3A_377 = arith.constant 0 : i32
      %dma_wait3A_378 = tpu.memref_slice %arg3[%dma_wait3A_376, %dma_wait3A_377] : memref<1000000x64xf32, #tpu.memory_space<hbm>> -> memref<1000000x64xf32, #tpu.memory_space<hbm>>
      tpu.wait_indirect_dma semaphore(%arg13 : memref<!tpu.dma_semaphore, #tpu.memory_space<semaphore_mem>>) src(%dma_wait3A_378 : memref<1000000x64xf32, #tpu.memory_space<hbm>>) dst(%dma_wait3A_372 : memref<50x64xf32, #tpu.memory_space<vmem>>)
      %add3A_379 = arith.addi %mul3A_2, %add3A_359 : i32
      %dma_start3A_380 = arith.constant 6 : i32
      %dma_start3A_381 = arith.constant 0 : i32
      %dma_start3A_382 = arith.constant 0 : i32
      %dma_start3A_383 = tpu.memref_slice %arg6[%dma_start3A_380, %dma_start3A_381, %dma_start3A_382] : memref<8x50x64xf32, #tpu.memory_space<vmem>> -> memref<1x50x64xf32, #tpu.memory_space<vmem>>
      %dma_start3A_384 = tpu.memref_squeeze %dma_start3A_383 : memref<1x50x64xf32, #tpu.memory_space<vmem>> -> memref<50x64xf32, #tpu.memory_space<vmem>>
      %dma_start3A_385 = arith.constant 0 : i32
      %dma_start3A_386 = arith.constant 0 : i32
      %dma_start3A_387 = tpu.memref_slice %arg4[%add3A_379, %dma_start3A_385, %dma_start3A_386] : memref<16384x56x128xf32, #tpu.memory_space<hbm>> -> memref<1x50x64xf32, #tpu.memory_space<hbm>>
      %dma_start3A_388 = tpu.memref_squeeze %dma_start3A_387 : memref<1x50x64xf32, #tpu.memory_space<hbm>> -> memref<50x64xf32, #tpu.memory_space<hbm>>
      %dma_start3A_389 = arith.constant 0 : i32
      %dma_start3A_390 = arith.constant 0 : i32
      %dma_start3A_391 = tpu.memref_slice %arg4[%add3A_379, %dma_start3A_389, %dma_start3A_390] : memref<16384x56x128xf32, #tpu.memory_space<hbm>> -> memref<1x50x64xf32, #tpu.memory_space<hbm>>
      %dma_start3A_392 = tpu.memref_squeeze %dma_start3A_391 : memref<1x50x64xf32, #tpu.memory_space<hbm>> -> memref<50x64xf32, #tpu.memory_space<hbm>>
      %dma_start3A_393 = arith.constant 0 : i32
      %dma_start3A_394 = arith.constant 0 : i32
      %dma_start3A_395 = tpu.memref_slice %arg6[%dma_start3A_380, %dma_start3A_393, %dma_start3A_394] : memref<8x50x64xf32, #tpu.memory_space<vmem>> -> memref<1x50x64xf32, #tpu.memory_space<vmem>>
      %dma_start3A_396 = tpu.memref_squeeze %dma_start3A_395 : memref<1x50x64xf32, #tpu.memory_space<vmem>> -> memref<50x64xf32, #tpu.memory_space<vmem>>
      tpu.enqueue_dma source(%dma_start3A_396 : memref<50x64xf32, #tpu.memory_space<vmem>>) target(%dma_start3A_392 : memref<50x64xf32, #tpu.memory_space<hbm>>) target_semaphore(%arg21 : memref<!tpu.dma_semaphore, #tpu.memory_space<semaphore_mem>>)
      %add3A_397 = arith.constant 7 : i32
      %add3A_398 = arith.addi %mul3A_126, %add3A_397 : i32
      %add3A_399 = arith.constant 4 : i32
      %add3A_400 = arith.addi %add3A_398, %add3A_399 : i32
      %lt3A_401 = arith.constant 512 : i32
      %lt3A_402 = arith.cmpi slt, %add3A_400, %lt3A_401 : i32
      %convert_element_type3A_403 = arith.extui %lt3A_402 : i1 to i32
      %cond3A_404 = arith.constant 0 : i32
      %cond3A_405 = arith.cmpi ne, %convert_element_type3A_403, %cond3A_404 : i32
      scf.if %cond3A_405 {
        %ge3A = arith.constant 8 : i32
        %ge3A_437 = arith.cmpi sge, %add3A_400, %ge3A : i32
        %convert_element_type3A_438 = arith.extui %ge3A_437 : i1 to i32
        %cond3A_439 = arith.constant 0 : i32
        %cond3A_440 = arith.cmpi ne, %convert_element_type3A_438, %cond3A_439 : i32
        scf.if %cond3A_440 {
          %dma_wait3A_452 = arith.constant 3 : i32
          %dma_wait3A_453 = arith.constant 0 : i32
          %dma_wait3A_454 = arith.constant 0 : i32
          %dma_wait3A_455 = tpu.memref_slice %arg6[%dma_wait3A_452, %dma_wait3A_453, %dma_wait3A_454] : memref<8x50x64xf32, #tpu.memory_space<vmem>> -> memref<1x50x64xf32, #tpu.memory_space<vmem>>
          %dma_wait3A_456 = tpu.memref_squeeze %dma_wait3A_455 : memref<1x50x64xf32, #tpu.memory_space<vmem>> -> memref<50x64xf32, #tpu.memory_space<vmem>>
          %dma_wait3A_457 = arith.constant 0 : i32
          %dma_wait3A_458 = arith.constant 0 : i32
          %dma_wait3A_459 = tpu.memref_slice %arg4[%mul3A_2, %dma_wait3A_457, %dma_wait3A_458] : memref<16384x56x128xf32, #tpu.memory_space<hbm>> -> memref<1x50x64xf32, #tpu.memory_space<hbm>>
          %dma_wait3A_460 = tpu.memref_squeeze %dma_wait3A_459 : memref<1x50x64xf32, #tpu.memory_space<hbm>> -> memref<50x64xf32, #tpu.memory_space<hbm>>
          %dma_wait3A_461 = arith.constant 0 : i32
          %dma_wait3A_462 = arith.constant 0 : i32
          %dma_wait3A_463 = tpu.memref_slice %arg4[%mul3A_2, %dma_wait3A_461, %dma_wait3A_462] : memref<16384x56x128xf32, #tpu.memory_space<hbm>> -> memref<1x50x64xf32, #tpu.memory_space<hbm>>
          %dma_wait3A_464 = tpu.memref_squeeze %dma_wait3A_463 : memref<1x50x64xf32, #tpu.memory_space<hbm>> -> memref<50x64xf32, #tpu.memory_space<hbm>>
          %dma_wait3A_465 = arith.constant 0 : i32
          %dma_wait3A_466 = arith.constant 0 : i32
          %dma_wait3A_467 = tpu.memref_slice %arg6[%dma_wait3A_452, %dma_wait3A_465, %dma_wait3A_466] : memref<8x50x64xf32, #tpu.memory_space<vmem>> -> memref<1x50x64xf32, #tpu.memory_space<vmem>>
          %dma_wait3A_468 = tpu.memref_squeeze %dma_wait3A_467 : memref<1x50x64xf32, #tpu.memory_space<vmem>> -> memref<50x64xf32, #tpu.memory_space<vmem>>
          tpu.wait_dma2 semaphore(%arg18 : memref<!tpu.dma_semaphore, #tpu.memory_space<semaphore_mem>>) src(%dma_wait3A_468 : memref<50x64xf32, #tpu.memory_space<vmem>>) dst(%dma_wait3A_464 : memref<50x64xf32, #tpu.memory_space<hbm>>)
        } else {
        }
        %dma_start3A_441 = arith.constant 3 : i32
        %dma_start3A_442 = arith.constant 0 : i32
        %dma_start3A_443 = arith.constant 0 : i32
        %dma_start3A_444 = tpu.memref_slice %arg6[%dma_start3A_441, %dma_start3A_442, %dma_start3A_443] : memref<8x50x64xf32, #tpu.memory_space<vmem>> -> memref<1x50x64xf32, #tpu.memory_space<vmem>>
        %dma_start3A_445 = tpu.memref_squeeze %dma_start3A_444 : memref<1x50x64xf32, #tpu.memory_space<vmem>> -> memref<50x64xf32, #tpu.memory_space<vmem>>
        %dma_start3A_446 = arith.constant 0 : i32
        %dma_start3A_447 = tpu.memref_slice %arg5[%add3A_400, %dma_start3A_446] : memref<512x50xi32, #tpu.memory_space<vmem>> -> memref<1x50xi32, #tpu.memory_space<vmem>>
        %dma_start3A_448 = tpu.memref_squeeze %dma_start3A_447 : memref<1x50xi32, #tpu.memory_space<vmem>> -> memref<50xi32, #tpu.memory_space<vmem>>
        %dma_start3A_449 = arith.constant 0 : i32
        %dma_start3A_450 = arith.constant 0 : i32
        %dma_start3A_451 = tpu.memref_slice %arg3[%dma_start3A_449, %dma_start3A_450] : memref<1000000x64xf32, #tpu.memory_space<hbm>> -> memref<1000000x64xf32, #tpu.memory_space<hbm>>
        tpu.enqueue_indirect_dma source(%dma_start3A_451 : memref<1000000x64xf32, #tpu.memory_space<hbm>>) target(%dma_start3A_445 : memref<50x64xf32, #tpu.memory_space<vmem>>) offsets(%dma_start3A_448 : memref<50xi32, #tpu.memory_space<vmem>>) semaphore(%arg10 : memref<!tpu.dma_semaphore, #tpu.memory_space<semaphore_mem>>)
      } else {
      }
      %dma_wait3A_406 = arith.constant 0 : i32
      %dma_wait3A_407 = arith.constant 7 : i32
      %dma_wait3A_408 = arith.constant 0 : i32
      %dma_wait3A_409 = arith.constant 0 : i32
      %dma_wait3A_410 = tpu.memref_slice %arg6[%dma_wait3A_407, %dma_wait3A_408, %dma_wait3A_409] : memref<8x50x64xf32, #tpu.memory_space<vmem>> -> memref<1x50x64xf32, #tpu.memory_space<vmem>>
      %dma_wait3A_411 = tpu.memref_squeeze %dma_wait3A_410 : memref<1x50x64xf32, #tpu.memory_space<vmem>> -> memref<50x64xf32, #tpu.memory_space<vmem>>
      %dma_wait3A_412 = arith.constant 0 : i32
      %dma_wait3A_413 = tpu.memref_slice %arg5[%dma_wait3A_406, %dma_wait3A_412] : memref<512x50xi32, #tpu.memory_space<vmem>> -> memref<1x50xi32, #tpu.memory_space<vmem>>
      %dma_wait3A_414 = tpu.memref_squeeze %dma_wait3A_413 : memref<1x50xi32, #tpu.memory_space<vmem>> -> memref<50xi32, #tpu.memory_space<vmem>>
      %dma_wait3A_415 = arith.constant 0 : i32
      %dma_wait3A_416 = arith.constant 0 : i32
      %dma_wait3A_417 = tpu.memref_slice %arg3[%dma_wait3A_415, %dma_wait3A_416] : memref<1000000x64xf32, #tpu.memory_space<hbm>> -> memref<1000000x64xf32, #tpu.memory_space<hbm>>
      tpu.wait_indirect_dma semaphore(%arg14 : memref<!tpu.dma_semaphore, #tpu.memory_space<semaphore_mem>>) src(%dma_wait3A_417 : memref<1000000x64xf32, #tpu.memory_space<hbm>>) dst(%dma_wait3A_411 : memref<50x64xf32, #tpu.memory_space<vmem>>)
      %add3A_418 = arith.addi %mul3A_2, %add3A_398 : i32
      %dma_start3A_419 = arith.constant 7 : i32
      %dma_start3A_420 = arith.constant 0 : i32
      %dma_start3A_421 = arith.constant 0 : i32
      %dma_start3A_422 = tpu.memref_slice %arg6[%dma_start3A_419, %dma_start3A_420, %dma_start3A_421] : memref<8x50x64xf32, #tpu.memory_space<vmem>> -> memref<1x50x64xf32, #tpu.memory_space<vmem>>
      %dma_start3A_423 = tpu.memref_squeeze %dma_start3A_422 : memref<1x50x64xf32, #tpu.memory_space<vmem>> -> memref<50x64xf32, #tpu.memory_space<vmem>>
      %dma_start3A_424 = arith.constant 0 : i32
      %dma_start3A_425 = arith.constant 0 : i32
      %dma_start3A_426 = tpu.memref_slice %arg4[%add3A_418, %dma_start3A_424, %dma_start3A_425] : memref<16384x56x128xf32, #tpu.memory_space<hbm>> -> memref<1x50x64xf32, #tpu.memory_space<hbm>>
      %dma_start3A_427 = tpu.memref_squeeze %dma_start3A_426 : memref<1x50x64xf32, #tpu.memory_space<hbm>> -> memref<50x64xf32, #tpu.memory_space<hbm>>
      %dma_start3A_428 = arith.constant 0 : i32
      %dma_start3A_429 = arith.constant 0 : i32
      %dma_start3A_430 = tpu.memref_slice %arg4[%add3A_418, %dma_start3A_428, %dma_start3A_429] : memref<16384x56x128xf32, #tpu.memory_space<hbm>> -> memref<1x50x64xf32, #tpu.memory_space<hbm>>
      %dma_start3A_431 = tpu.memref_squeeze %dma_start3A_430 : memref<1x50x64xf32, #tpu.memory_space<hbm>> -> memref<50x64xf32, #tpu.memory_space<hbm>>
      %dma_start3A_432 = arith.constant 0 : i32
      %dma_start3A_433 = arith.constant 0 : i32
      %dma_start3A_434 = tpu.memref_slice %arg6[%dma_start3A_419, %dma_start3A_432, %dma_start3A_433] : memref<8x50x64xf32, #tpu.memory_space<vmem>> -> memref<1x50x64xf32, #tpu.memory_space<vmem>>
      %dma_start3A_435 = tpu.memref_squeeze %dma_start3A_434 : memref<1x50x64xf32, #tpu.memory_space<vmem>> -> memref<50x64xf32, #tpu.memory_space<vmem>>
      tpu.enqueue_dma source(%dma_start3A_435 : memref<50x64xf32, #tpu.memory_space<vmem>>) target(%dma_start3A_431 : memref<50x64xf32, #tpu.memory_space<hbm>>) target_semaphore(%arg22 : memref<!tpu.dma_semaphore, #tpu.memory_space<semaphore_mem>>)
      %scan3A_436 = arith.constant 0 : i32
      scf.yield %scan3A_436 : i32
    }
    %scan3A_55 = arith.constant 64 : i32
    %dma_wait3A = arith.constant 4 : i32
    %dma_wait3A_56 = arith.constant 0 : i32
    %dma_wait3A_57 = arith.constant 0 : i32
    %dma_wait3A_58 = tpu.memref_slice %arg6[%dma_wait3A, %dma_wait3A_56, %dma_wait3A_57] : memref<8x50x64xf32, #tpu.memory_space<vmem>> -> memref<1x50x64xf32, #tpu.memory_space<vmem>>
    %dma_wait3A_59 = tpu.memref_squeeze %dma_wait3A_58 : memref<1x50x64xf32, #tpu.memory_space<vmem>> -> memref<50x64xf32, #tpu.memory_space<vmem>>
    %dma_wait3A_60 = arith.constant 0 : i32
    %dma_wait3A_61 = arith.constant 0 : i32
    %dma_wait3A_62 = tpu.memref_slice %arg4[%mul3A_2, %dma_wait3A_60, %dma_wait3A_61] : memref<16384x56x128xf32, #tpu.memory_space<hbm>> -> memref<1x50x64xf32, #tpu.memory_space<hbm>>
    %dma_wait3A_63 = tpu.memref_squeeze %dma_wait3A_62 : memref<1x50x64xf32, #tpu.memory_space<hbm>> -> memref<50x64xf32, #tpu.memory_space<hbm>>
    %dma_wait3A_64 = arith.constant 0 : i32
    %dma_wait3A_65 = arith.constant 0 : i32
    %dma_wait3A_66 = tpu.memref_slice %arg4[%mul3A_2, %dma_wait3A_64, %dma_wait3A_65] : memref<16384x56x128xf32, #tpu.memory_space<hbm>> -> memref<1x50x64xf32, #tpu.memory_space<hbm>>
    %dma_wait3A_67 = tpu.memref_squeeze %dma_wait3A_66 : memref<1x50x64xf32, #tpu.memory_space<hbm>> -> memref<50x64xf32, #tpu.memory_space<hbm>>
    %dma_wait3A_68 = arith.constant 0 : i32
    %dma_wait3A_69 = arith.constant 0 : i32
    %dma_wait3A_70 = tpu.memref_slice %arg6[%dma_wait3A, %dma_wait3A_68, %dma_wait3A_69] : memref<8x50x64xf32, #tpu.memory_space<vmem>> -> memref<1x50x64xf32, #tpu.memory_space<vmem>>
    %dma_wait3A_71 = tpu.memref_squeeze %dma_wait3A_70 : memref<1x50x64xf32, #tpu.memory_space<vmem>> -> memref<50x64xf32, #tpu.memory_space<vmem>>
    tpu.wait_dma2 semaphore(%arg19 : memref<!tpu.dma_semaphore, #tpu.memory_space<semaphore_mem>>) src(%dma_wait3A_71 : memref<50x64xf32, #tpu.memory_space<vmem>>) dst(%dma_wait3A_67 : memref<50x64xf32, #tpu.memory_space<hbm>>)
    %dma_wait3A_72 = arith.constant 5 : i32
    %dma_wait3A_73 = arith.constant 0 : i32
    %dma_wait3A_74 = arith.constant 0 : i32
    %dma_wait3A_75 = tpu.memref_slice %arg6[%dma_wait3A_72, %dma_wait3A_73, %dma_wait3A_74] : memref<8x50x64xf32, #tpu.memory_space<vmem>> -> memref<1x50x64xf32, #tpu.memory_space<vmem>>
    %dma_wait3A_76 = tpu.memref_squeeze %dma_wait3A_75 : memref<1x50x64xf32, #tpu.memory_space<vmem>> -> memref<50x64xf32, #tpu.memory_space<vmem>>
    %dma_wait3A_77 = arith.constant 0 : i32
    %dma_wait3A_78 = arith.constant 0 : i32
    %dma_wait3A_79 = tpu.memref_slice %arg4[%mul3A_2, %dma_wait3A_77, %dma_wait3A_78] : memref<16384x56x128xf32, #tpu.memory_space<hbm>> -> memref<1x50x64xf32, #tpu.memory_space<hbm>>
    %dma_wait3A_80 = tpu.memref_squeeze %dma_wait3A_79 : memref<1x50x64xf32, #tpu.memory_space<hbm>> -> memref<50x64xf32, #tpu.memory_space<hbm>>
    %dma_wait3A_81 = arith.constant 0 : i32
    %dma_wait3A_82 = arith.constant 0 : i32
    %dma_wait3A_83 = tpu.memref_slice %arg4[%mul3A_2, %dma_wait3A_81, %dma_wait3A_82] : memref<16384x56x128xf32, #tpu.memory_space<hbm>> -> memref<1x50x64xf32, #tpu.memory_space<hbm>>
    %dma_wait3A_84 = tpu.memref_squeeze %dma_wait3A_83 : memref<1x50x64xf32, #tpu.memory_space<hbm>> -> memref<50x64xf32, #tpu.memory_space<hbm>>
    %dma_wait3A_85 = arith.constant 0 : i32
    %dma_wait3A_86 = arith.constant 0 : i32
    %dma_wait3A_87 = tpu.memref_slice %arg6[%dma_wait3A_72, %dma_wait3A_85, %dma_wait3A_86] : memref<8x50x64xf32, #tpu.memory_space<vmem>> -> memref<1x50x64xf32, #tpu.memory_space<vmem>>
    %dma_wait3A_88 = tpu.memref_squeeze %dma_wait3A_87 : memref<1x50x64xf32, #tpu.memory_space<vmem>> -> memref<50x64xf32, #tpu.memory_space<vmem>>
    tpu.wait_dma2 semaphore(%arg20 : memref<!tpu.dma_semaphore, #tpu.memory_space<semaphore_mem>>) src(%dma_wait3A_88 : memref<50x64xf32, #tpu.memory_space<vmem>>) dst(%dma_wait3A_84 : memref<50x64xf32, #tpu.memory_space<hbm>>)
    %dma_wait3A_89 = arith.constant 6 : i32
    %dma_wait3A_90 = arith.constant 0 : i32
    %dma_wait3A_91 = arith.constant 0 : i32
    %dma_wait3A_92 = tpu.memref_slice %arg6[%dma_wait3A_89, %dma_wait3A_90, %dma_wait3A_91] : memref<8x50x64xf32, #tpu.memory_space<vmem>> -> memref<1x50x64xf32, #tpu.memory_space<vmem>>
    %dma_wait3A_93 = tpu.memref_squeeze %dma_wait3A_92 : memref<1x50x64xf32, #tpu.memory_space<vmem>> -> memref<50x64xf32, #tpu.memory_space<vmem>>
    %dma_wait3A_94 = arith.constant 0 : i32
    %dma_wait3A_95 = arith.constant 0 : i32
    %dma_wait3A_96 = tpu.memref_slice %arg4[%mul3A_2, %dma_wait3A_94, %dma_wait3A_95] : memref<16384x56x128xf32, #tpu.memory_space<hbm>> -> memref<1x50x64xf32, #tpu.memory_space<hbm>>
    %dma_wait3A_97 = tpu.memref_squeeze %dma_wait3A_96 : memref<1x50x64xf32, #tpu.memory_space<hbm>> -> memref<50x64xf32, #tpu.memory_space<hbm>>
    %dma_wait3A_98 = arith.constant 0 : i32
    %dma_wait3A_99 = arith.constant 0 : i32
    %dma_wait3A_100 = tpu.memref_slice %arg4[%mul3A_2, %dma_wait3A_98, %dma_wait3A_99] : memref<16384x56x128xf32, #tpu.memory_space<hbm>> -> memref<1x50x64xf32, #tpu.memory_space<hbm>>
    %dma_wait3A_101 = tpu.memref_squeeze %dma_wait3A_100 : memref<1x50x64xf32, #tpu.memory_space<hbm>> -> memref<50x64xf32, #tpu.memory_space<hbm>>
    %dma_wait3A_102 = arith.constant 0 : i32
    %dma_wait3A_103 = arith.constant 0 : i32
    %dma_wait3A_104 = tpu.memref_slice %arg6[%dma_wait3A_89, %dma_wait3A_102, %dma_wait3A_103] : memref<8x50x64xf32, #tpu.memory_space<vmem>> -> memref<1x50x64xf32, #tpu.memory_space<vmem>>
    %dma_wait3A_105 = tpu.memref_squeeze %dma_wait3A_104 : memref<1x50x64xf32, #tpu.memory_space<vmem>> -> memref<50x64xf32, #tpu.memory_space<vmem>>
    tpu.wait_dma2 semaphore(%arg21 : memref<!tpu.dma_semaphore, #tpu.memory_space<semaphore_mem>>) src(%dma_wait3A_105 : memref<50x64xf32, #tpu.memory_space<vmem>>) dst(%dma_wait3A_101 : memref<50x64xf32, #tpu.memory_space<hbm>>)
    %dma_wait3A_106 = arith.constant 7 : i32
    %dma_wait3A_107 = arith.constant 0 : i32
    %dma_wait3A_108 = arith.constant 0 : i32
    %dma_wait3A_109 = tpu.memref_slice %arg6[%dma_wait3A_106, %dma_wait3A_107, %dma_wait3A_108] : memref<8x50x64xf32, #tpu.memory_space<vmem>> -> memref<1x50x64xf32, #tpu.memory_space<vmem>>
    %dma_wait3A_110 = tpu.memref_squeeze %dma_wait3A_109 : memref<1x50x64xf32, #tpu.memory_space<vmem>> -> memref<50x64xf32, #tpu.memory_space<vmem>>
    %dma_wait3A_111 = arith.constant 0 : i32
    %dma_wait3A_112 = arith.constant 0 : i32
    %dma_wait3A_113 = tpu.memref_slice %arg4[%mul3A_2, %dma_wait3A_111, %dma_wait3A_112] : memref<16384x56x128xf32, #tpu.memory_space<hbm>> -> memref<1x50x64xf32, #tpu.memory_space<hbm>>
    %dma_wait3A_114 = tpu.memref_squeeze %dma_wait3A_113 : memref<1x50x64xf32, #tpu.memory_space<hbm>> -> memref<50x64xf32, #tpu.memory_space<hbm>>
    %dma_wait3A_115 = arith.constant 0 : i32
    %dma_wait3A_116 = arith.constant 0 : i32
    %dma_wait3A_117 = tpu.memref_slice %arg4[%mul3A_2, %dma_wait3A_115, %dma_wait3A_116] : memref<16384x56x128xf32, #tpu.memory_space<hbm>> -> memref<1x50x64xf32, #tpu.memory_space<hbm>>
    %dma_wait3A_118 = tpu.memref_squeeze %dma_wait3A_117 : memref<1x50x64xf32, #tpu.memory_space<hbm>> -> memref<50x64xf32, #tpu.memory_space<hbm>>
    %dma_wait3A_119 = arith.constant 0 : i32
    %dma_wait3A_120 = arith.constant 0 : i32
    %dma_wait3A_121 = tpu.memref_slice %arg6[%dma_wait3A_106, %dma_wait3A_119, %dma_wait3A_120] : memref<8x50x64xf32, #tpu.memory_space<vmem>> -> memref<1x50x64xf32, #tpu.memory_space<vmem>>
    %dma_wait3A_122 = tpu.memref_squeeze %dma_wait3A_121 : memref<1x50x64xf32, #tpu.memory_space<vmem>> -> memref<50x64xf32, #tpu.memory_space<vmem>>
    tpu.wait_dma2 semaphore(%arg22 : memref<!tpu.dma_semaphore, #tpu.memory_space<semaphore_mem>>) src(%dma_wait3A_122 : memref<50x64xf32, #tpu.memory_space<vmem>>) dst(%dma_wait3A_118 : memref<50x64xf32, #tpu.memory_space<hbm>>)
    return
  }
}

</mosaic_0001>

<sc_bundles>
// kernel: kernel.3.cloned.1.call-start
scs
__scs_entry_jumppad:
0x0: {  	(pc) =	sbr.rel $0x88, $3  }
0x1: {  	(tag) =	ssettag $0x0;
	lr =	simm.s32 $0x1  }
0x2: {  	[smem:$0x3F9F] =	sst lr;
	_ =	strace $0xD0000000  }
0x3: {  	_ = 	snop  }
0x4: {  	_ = 	snop  }
0x5: {  	_ = 	snop  }
0x6: {  	_ = 	snop  }
0x7: {  	_ = 	snop  }
__scs_overlays_trampoline_lowered:
0x8: {  	[smem:$0x3FAE] =	sst s0  }
0x9: {  	[smem:$0x3FAF] =	sst s1  }
0xa: {  	[smem:$0x3FB0] =	sst s2  }
0xb: {  	[smem:$0x3FB1] =	sst s3  }
0xc: {  	[smem:$0x3FB2] =	sst s4  }
0xd: {  	[smem:$0x3FB3] =	sst s5  }
0xe: {  	[smem:$0x3FB4] =	sst s6  }
0xf: {  	[smem:$0x3FB5] =	sst s7  }
0x10: {  	[smem:$0x3FB6] =	sst s8  }
0x11: {  	[smem:$0x3FB7] =	sst s9;
	s0 =	simm.s32 @!p0 $0x0  }
0x12: {  	s1 =	sld [smem:$0x3F9D];
	s0 =	simm.s32 @p0 $0x1  }
0x13: {  	[smem:$0x3FB8] =	sst s0;
	s0 =	simm.s32 @!p1 $0x0  }
0x14: {  	s2 =	sld [smem:$0x3F9C];
	s0 =	simm.s32 @p1 $0x1  }
0x15: {  	[smem:$0x3FB9] =	sst s0;
	s0 =	simm.s32 @!p2 $0x0  }
0x16: {  	s3 =	sld [smem:$0x3FDB];
	s0 =	simm.s32 @p2 $0x1  }
0x17: {  	s4 =	simm.s32 $0x1BF5;
	[smem:$0x3FBB] =	sst s0  }
0x18: {  	s0 =	sld [smem:$0x3F9E];
	_ =	swait.ge [sflag:s4], $0x0  }
0x19: {  	s7 =	sld [smem:$0x3F9F]  }
0x1a: {  	s8 =	sadd.s32 $0xFFFFE003, lr  }
0x1b: {  	s9 =	sadd.s32 $0xFFFFFEF7, lr;
	s5 =	simm.s32 $0xFFFFFFFF;
	p2 =	slt.u32 s8, $0xFFFFF086  }
0x1c: {  	p1 =	slt.u32 s9, $0xF7A;
	s5 =	simm.s32 @!p2 $0x0  }
0x1d: {  	s5 =	simm.s32 @p1 $0x1;
	p0 =	seq.s32 s7, s2  }
0x1e: {  	s7 =	smul.u32 @!p0 $0xF7A, s2;
	p2 =	seq.s32 @!p0 s5, $0x0  }
0x1f: {  	s9 =	smul.u32 $0xF7A, s1;
	s8 =	simm.s32 @!p0 $0x1BF5;
	p2 =	por !p2, p0  }
0x20: {  	[sflag:s8] =	ssyncset.s32 @!p0 $0xFFFFF086;
	s6 =	sadd.s32 @!p0 s3, s7;
	s7 =	simm.s32 @!p0 $0x108  }
0x21: {  	s3 =	sadd.s32 s3, s9;
	s6 =	sadd.s32 @!p0 $0x88, s6;
	s7 =	simm.s32 @p2 $0x1082  }
0x22: {  	[simem:s7], [sflag:s8] =	dma.local @!p0 [hbm:s6], $0xF7A  }
0x23: {  	s9 =	sor.u32 $0xD0000000, s2;
	s6 =	simm.s32 $0x108;
	_ =	swait.ge @!p0 [sflag:s8], $0x0  }
0x24: {  	s3 =	sadd.s32 $0x88, s3;
	s6 =	simm.s32 @!p1 $0x1082;
	[sflag:s4] =	ssyncset.s32 $0xFFFFF086  }
0x25: {  	[simem:s6], [sflag:s4] =	dma.local [hbm:s3], $0xF7A  }
0x26: {  	[smem:$0x3F9F] =	sst s1;
	(tag) =	ssettag s2;
	_ =	strace s9  }
0x27: {  	s1 =	sld [smem:$0x3FAF]  }
0x28: {  	s2 =	sld [smem:$0x3FB0]  }
0x29: {  	s4 =	sld [smem:$0x3FB2]  }
0x2a: {  	p0 =	seq.s32 s5, $0x0;
	s5 =	sld [smem:$0x3FB3]  }
0x2b: {  	s6 =	sld [smem:$0x3FB4]  }
0x2c: {  	s7 =	sld [smem:$0x3FB5]  }
0x2d: {  	s3 =	simm.s32 $0x108;
	s8 =	sld [smem:$0x3FB6]  }
0x2e: {  	s3 =	simm.s32 @!p0 $0x1082;
	s9 =	sld [smem:$0x3FB7]  }
0x2f: {  	lr =	sadd.s32 s0, s3;
	s0 =	sld [smem:$0x3FAE]  }
0x30: {  	s3 =	sld [smem:$0x3FB1]  }
0x31: {  	[smem:$0x3FBA] =	sst s10  }
0x32: {  	s10 =	sld [smem:$0x3FB8];
	_ =	sdelay $0x3  }
0x33: {  	p0 =	seq.s32 s10, $0x1;
	s10 =	sld [smem:$0x3FBA];
	_ =	sdelay $0x3  }
0x34: {  	[smem:$0x3FBA] =	sst s10  }
0x35: {  	s10 =	sld [smem:$0x3FB9];
	_ =	sdelay $0x3  }
0x36: {  	p1 =	seq.s32 s10, $0x1;
	s10 =	sld [smem:$0x3FBA];
	_ =	sdelay $0x3  }
0x37: {  	[smem:$0x3FBA] =	sst s10  }
0x38: {  	s10 =	sld [smem:$0x3FBB]  }
0x39: {  	_ = 	snop;
	(pc) =	sbr.ind lr, $3  }
0x3a: {  	_ = 	snop  }
0x3b: {  	_ = 	snop  }
0x3c: {  	p2 =	seq.s32 s10, $0x1;
	s10 =	sld [smem:$0x3FBA]  }
0x3d: {  	_ =	shalt  }
0x3e: {  	_ =	shalt  }
0x3f: {  	_ =	shalt  }
0x40: {  	_ =	shalt  }
0x41: {  	_ =	shalt  }
0x42: {  	_ =	shalt  }
0x43: {  	_ =	shalt  }
0x44: {  	_ =	shalt  }
0x45: {  	_ =	shalt  }
0x46: {  	_ =	shalt  }
0x47: {  	_ =	shalt  }
0x48: {  	_ =	shalt  }
0x49: {  	_ =	shalt  }
0x4a: {  	_ =	shalt  }
0x4b: {  	_ =	shalt  }
0x4c: {  	_ =	shalt  }
0x4d: {  	_ =	shalt  }
0x4e: {  	_ =	shalt  }
0x4f: {  	_ =	shalt  }
0x50: {  	_ =	shalt  }
0x51: {  	_ =	shalt  }
0x52: {  	_ =	shalt  }
0x53: {  	_ =	shalt  }
0x54: {  	_ =	shalt  }
0x55: {  	_ =	shalt  }
0x56: {  	_ =	shalt  }
0x57: {  	_ =	shalt  }
0x58: {  	_ =	shalt  }
0x59: {  	_ =	shalt  }
0x5a: {  	_ =	shalt  }
0x5b: {  	_ =	shalt  }
0x5c: {  	_ =	shalt  }
0x5d: {  	_ =	shalt  }
0x5e: {  	_ =	shalt  }
0x5f: {  	_ =	shalt  }
0x60: {  	_ =	shalt  }
0x61: {  	_ =	shalt  }
0x62: {  	_ =	shalt  }
0x63: {  	_ =	shalt  }
0x64: {  	_ =	shalt  }
0x65: {  	_ =	shalt  }
0x66: {  	_ =	shalt  }
0x67: {  	_ =	shalt  }
0x68: {  	_ =	shalt  }
0x69: {  	_ =	shalt  }
0x6a: {  	_ =	shalt  }
0x6b: {  	_ =	shalt  }
0x6c: {  	_ =	shalt  }
0x6d: {  	_ =	shalt  }
0x6e: {  	_ =	shalt  }
0x6f: {  	_ =	shalt  }
0x70: {  	_ =	shalt  }
0x71: {  	_ =	shalt  }
0x72: {  	_ =	shalt  }
0x73: {  	_ =	shalt  }
0x74: {  	_ =	shalt  }
0x75: {  	_ =	shalt  }
0x76: {  	_ =	shalt  }
0x77: {  	_ =	shalt  }
0x78: {  	_ =	shalt  }
0x79: {  	_ =	shalt  }
0x7a: {  	_ =	shalt  }
0x7b: {  	_ =	shalt  }
0x7c: {  	_ =	shalt  }
0x7d: {  	_ =	shalt  }
0x7e: {  	_ =	shalt  }
0x7f: {  	_ =	shalt  }
0x80: {  	_ =	shalt  }
0x81: {  	_ =	shalt  }
0x82: {  	_ =	shalt  }
0x83: {  	_ =	shalt  }
0x84: {  	_ =	shalt  }
0x85: {  	_ =	shalt  }
0x86: {  	_ =	shalt  }
0x87: {  	_ =	shalt  }
.Lfunc_end0:
.L_simem_size_0:
called_computation.1_lowered:
.L_overlay_start_0:
0x88: {  	s2 =	sld [smem:$0x3FD9]  }
0x89: {  	s3 =	sld [smem:$0x3FFE];
	_ =	sdelay $0x1  }
0x8a: {  	s1 =	srdreg.scid  }
0x8b: {  	s0 =	sand.u32 $0x1, s1  }
0x8c: {  	s17 =	sshll.u32 s0, $0xA;
	s2 =	sadd.s32 s3, s2  }
0x8d: {  	s2 =	sadd.s32 s2, s17  }
0x8e: {  	[smem:$0x3FC6] =	sst s2  }
0x8f: {  	_ = 	snop  }
0x90: {  	s2 =	sld [smem:$0x3FD0];
	(tm) =	ssettm $0x1  }
0x91: {  	s18 =	sld [smem:$0x3FFB];
	_ =	sdelay $0x3  }
0x92: {  	_ =	strace s18  }
0x93: {  	s3 =	sld [smem:$0x3FFC];
	_ =	sdelay $0x3  }
0x94: {  	_ =	strace s3  }
0x95: {  	s3 =	sld [smem:$0x3FFD];
	_ =	sdelay $0x3  }
0x96: {  	_ =	strace s3  }
0x97: {  	_ =	strace $0x8FFFFFFF  }
0x98: {  	s19 =	sld [smem:$0x3FDB];
	_ =	sdelay $0x1  }
0x99: {  	s4 =	simm.s32 $_scs_section_size  }
0x9a: {  	s5 =	simm.s32 $_size__tile_overlayer_lowered;
	s6 =	simm.s32 $_tile_overlayer_lowered  }
0x9b: {  	s22 =	simm.s32 $0x1BFF;
	s21 =	sshll.u32 s6, $0x1;
	s3 =	sadd.s32 s4, s19  }
0x9c: {  	s7 =	simm.s32 $0x0;
	s20 =	sshll.u32 s5, $0x1;
	s5 =	sadd.s32 s21, s3  }
0x9d: {  	[timem:s7], [sflag:s22] =	dma.local [hbm:s5], s20  }
0x9e: {  	_ =	swait.ge [sflag:s22], s20  }
0x9f: {  	s4 =	ssub.s32 $0x0, s20;
	[sflag:s22] =	ssyncset.done $0x0  }
0xa0: {  	[sflag:s22] =	ssyncadd.s32 s4;
	_ =	sdelay $0x1  }
0xa1: {  	s23 =	simm.s32 $0x1B8B  }
0xa2: {  	_ =	swait.ge [sflag:s23], $0x1  }
0xa3: {  	[sflag:s23] =	ssyncset.done $0x0  }
0xa4: {  	s25 =	simm.s32 $0x1B8E;
	s24 =	sld [smem:$0x3FFE];
	[sflag:s23] =	ssyncadd.s32 $0xFFFFFFFF  }
0xa5: {  	s26 =	simm.s32 $execute0_lowered;
	[smem:$0x3FD2] =	sst s25  }
0xa6: {  	s5 =	sshll.u32 s26, $0x1;
	_ =	strace $0x80000046;
	[dreg:$0x1] =	wrdreg $0xFFFFFFFF  }
0xa7: {  	s28 =	simm.s32 $_size_execute0_lowered;
	s3 =	sadd.s32 s3, s5;
	[dreg:$0x0] =	wrdreg $0x0  }
0xa8: {  	s5 =	sshll.u32 s28, $0x1;
	[dreg:$0x2] =	wrdreg s3  }
0xa9: {  	[dreg:$0x3] =	wrdreg s5  }
0xaa: {  	[dreg:$0x4] =	wrdreg $0xC0  }
0xab: {  	_ =	task [dreg:s7], $0x5FFFF  }
0xac: {  	[dreg:$0x1] =	wrdreg $0xFFFFFFFF  }
0xad: {  	[dreg:$0x0] =	wrdreg $0x60  }
0xae: {  	[dreg:$0x2] =	wrdreg s2  }
0xaf: {  	[dreg:$0x3] =	wrdreg s24  }
0xb0: {  	[dreg:$0x4] =	wrdreg $0x9  }
0xb1: {  	_ =	task.clear_ibuf [dreg:s7], $0x5FFFF;
	_ =	strace $0x90000046  }
0xb2: {  	s29 =	simm.s32 $0x9;
	_ =	strace $0x80000048  }
0xb3: {  	_ =	swait.ge [sflag:s29], $0x1  }
0xb4: {  	[sflag:s29] =	ssyncadd.s32 $0xFFFFFFFF  }
0xb5: {  	_ =	strace $0x90000048  }
0xb6: {  	_ =	sfence  }
0xb7: {  	s30 =	sld [smem:$0x0];
	_ =	sdelay $0x2  }
0xb8: {  	s31 =	sshll.u32 s1, $0xD;
	s1 =	sshrl.u32 s1, $0x2  }
0xb9: {  	s3 =	sand.u32 $0x4000, s31;
	s1 =	sadd.s32 s1, s30  }
0xba: {  	s0 =	sor.u32 s3, s0;
	s1 =	sshll.u32 s1, $0x11  }
0xbb: {  	s0 =	sor.u32 s1, s0  }
0xbc: {  	s0 =	sadd.s32 $0x8F2B, s0  }
0xbd: {  	[sflag:s0] =	ssyncadd.remote.s32 $0x1  }
0xbe: {  	_ =	sfence.sel $0xFFFF  }
0xbf: {  	[dreg:$0x0] =	wrdreg $0xFFFFFFFF;
	(pc) =	sbr.abs _section_cstart, $3  }
0xc0: {  	[dreg:$0x1] =	wrdreg $0xFFFFFFFF  }
0xc1: {  	_ =	task.clear_ibuf [dreg:s7], $0x2FFFF;
	_ =	strace $0x9FFFFFFF  }
0xc2: {  	(tm) =	ssettm $0x7FFFFFFF  }
0xc3: {  	_ =	shalt  }
tec
execute0_lowered:
.L_overlay_start_1:
0x0: {  	(tag) =	ssettag $0x1  }
0x1: {  	s0 =	rddreg [dreg:$0x0]  }
0x2: {  	s1 =	rddreg [dreg:$0x1]  }
0x3: {  	s2 =	srdreg.scid;
	s8 =	stileid.u32;
	s5 =	simm.s32 $0x0  }
0x4: {  	s30 =	simm.s32 $0xA200;
	s16 =	simm.s32 $0x1;
	s17 =	simm.s32 $0x40  }
0x5: {  	s18 =	simm.s32 $0x80;
	s19 =	simm.s32 $0xAE80;
	s31 =	simm.s32 $0xBB00  }
0x6: {  	s20 =	simm.s32 $0x2;
	s21 =	simm.s32 $0x3;
	s22 =	simm.s32 $0xC780  }
0x7: {  	s23 =	simm.s32 $0x4;
	s24 =	simm.s32 $0x6;
	s13 =	simm.s32 $0x7000  }
0x8: {  	s15 =	simm.s32 $0x7C80;
	s2 =	sand.u32 $0x1, s2;
	s3 =	sshll.u32 s8, $0xA  }
0x9: {  	[smem:$0x7FF] =	sst s5;
	s8 =	smul.u32 $0xE0000, s8;
	s4 =	sshll.u32 s2, $0x9  }
0xa: {  	_ =	strace $0x80000047;
	s6 =	ssub.s32 $0x2, s2;
	s4 =	sor.u32 s4, s3  }
0xb: {  	[dreg:$0x5] =	wrdreg s30;
	s7 =	sshrl.u32 s6, $0x1;
	s25 =	smul.u32 $0x380, s4  }
0xc: {  	[dreg:$0x6] =	wrdreg s31;
	s4 =	smul.u32 $0x7, s4;
	s6 =	ssub.s32 s6, s7  }
0xd: {  	s3 =	sadd.s32 $0xF42E00, s1;
	s1 =	sadd.s32 $0xA00, s1;
	s29 =	smax.u32 s6, $0x1  }
0xe: {  	s5 =	sadd.s32 s25, s1;
	s0 =	sadd.s32 s0, s4;
	[dreg:$0x8] =	wrdreg s29  }
0xf: {  	s2 =	smul.u32 $0x70000, s2;
	s26 =	sadd.s32 $0x6F200, s5;
	[dreg:$0x7] =	wrdreg s0  }
0x10: {  	s28 =	sadd.s32 s8, s1;
	s5 =	sadd.s32 $0x6F900, s5;
	[dreg:$0x3] =	wrdreg s26  }
0x11: {  	s8 =	simm.s32 $0x32;
	s0 =	sadd.s32 s2, s28;
	[dreg:$0x4] =	wrdreg s5  }
0x12: {  	s25 =	simm.s32 $0x8;
	s2 =	simm.s32 $0x0;
	[dreg:$0x9] =	wrdreg s0  }
.LBB2_1:
0x13: {  	[dreg:$0xa] =	wrdreg s2  }
0x14: {  	s0 =	simm.s32 $0x0;
	s1 =	rddreg [dreg:$0x7];
	s29 =	simm.s32 $0x11  }
0x15: {  	[tilespmem:s0], [sflag:$0x11] =	stream.linear.gather [hbm4b:s1+s0], $0x7000, $0x38;
	[tilespmem:$0xD400] =	vst v63  }
0x16: {  	_ =	swait.ge [sflag:s29], $0x7000  }
0x17: {  	[sflag:s29] =	ssyncset.done $0x0  }
0x18: {  	s30 =	simm.s32 $0x7000;
	[sflag:s29] =	ssyncadd.s32 $0xFFFF9000  }
0x19: {  	[tilespmem:s30], [sflag:$0x1] =	stream.indirect.gather [hbm4b:s3+s8], $0x40, s0, s8, $0xb8;
	[tilespmem:$0xD400] =	vst v63  }
0x1a: {  	s31 =	simm.s32 $0x38;
	s4 =	simm.s32 $0x7C80  }
0x1b: {  	[tilespmem:s4], [sflag:$0x2] =	stream.indirect.gather [hbm4b:s3+s8], $0x40, s31, s8, $0xb8;
	[tilespmem:$0xD400] =	vst v63  }
0x1c: {  	s5 =	simm.s32 $0x8900;
	p0 =	por $0x1, $0x1;
	s1 =	simm.s32 $0x70  }
0x1d: {  	[tilespmem:s5], [sflag:$0x3] =	stream.indirect.gather [hbm4b:s3+s8], $0x40, s1, s8, $0xb8;
	[tilespmem:$0xD400] =	vst v63  }
0x1e: {  	s6 =	simm.s32 $0xA8;
	s7 =	simm.s32 $0x9580;
	s0 =	simm.s32 @!p0 $0xD  }
0x1f: {  	[tilespmem:s7], [sflag:$0x4] =	stream.indirect.gather [hbm4b:s3+s8], $0x40, s6, s8, $0xb8;
	[tilespmem:$0xD400] =	vst v63  }
0x20: {  	_ =	swait.ge @!p0 [sflag:s0], $0xC80  }
0x21: {  	[sflag:s0] =	ssyncset.done @!p0 $0x0  }
0x22: {  	s10 =	simm.s32 $0xE0;
	s9 =	rddreg [dreg:$0x5];
	[sflag:s0] =	ssyncadd.s32 @!p0 $0xFFFFF380  }
0x23: {  	[tilespmem:s9], [sflag:$0x5] =	stream.indirect.gather [hbm4b:s3+s8], $0x40, s10, s8, $0xb8;
	[tilespmem:$0xD400] =	vst v63  }
0x24: {  	_ =	swait.ge [sflag:s16], $0xC80  }
0x25: {  	[sflag:s16] =	ssyncset.done $0x0  }
0x26: {  	s0 =	simm.s32 @!p0 $0xE;
	s6 =	rddreg [dreg:$0x9];
	[sflag:s16] =	ssyncadd.s32 $0xFFFFF380  }
0x27: {  	[hbm4b:s6+s17] =	stream.strided.scatter [tilespmem:s30], [sflag:$0x9], $0xC80, s18, s17, $0x38;
	[tilespmem:$0xD400] =	vst v63  }
0x28: {  	_ =	swait.ge @!p0 [sflag:s0], $0xC80  }
0x29: {  	[sflag:s0] =	ssyncset.done @!p0 $0x0  }
0x2a: {  	s11 =	simm.s32 $0x118;
	[sflag:s0] =	ssyncadd.s32 @!p0 $0xFFFFF380  }
0x2b: {  	[tilespmem:s19], [sflag:$0x6] =	stream.indirect.gather [hbm4b:s3+s8], $0x40, s11, s8, $0xb8;
	[tilespmem:$0xD400] =	vst v63  }
0x2c: {  	_ =	swait.ge [sflag:s20], $0xC80  }
0x2d: {  	[sflag:s20] =	ssyncset.done $0x0  }
0x2e: {  	s1 =	simm.s32 @!p0 $0xF;
	s12 =	sadd.s32 $0x380, s6;
	[sflag:s20] =	ssyncadd.s32 $0xFFFFF380  }
0x2f: {  	[hbm4b:s12+s17] =	stream.strided.scatter [tilespmem:s4], [sflag:$0xA], $0xC80, s18, s17, $0x38;
	[tilespmem:$0xD400] =	vst v63  }
0x30: {  	_ =	swait.ge @!p0 [sflag:s1], $0xC80  }
0x31: {  	[sflag:s1] =	ssyncset.done @!p0 $0x0  }
0x32: {  	s26 =	simm.s32 $0x150;
	s14 =	rddreg [dreg:$0x6];
	[sflag:s1] =	ssyncadd.s32 @!p0 $0xFFFFF380  }
0x33: {  	[tilespmem:s14], [sflag:$0x7] =	stream.indirect.gather [hbm4b:s3+s8], $0x40, s26, s8, $0xb8;
	[tilespmem:$0xD400] =	vst v63  }
0x34: {  	_ =	swait.ge [sflag:s21], $0xC80  }
0x35: {  	[sflag:s21] =	ssyncset.done $0x0  }
0x36: {  	s28 =	sadd.s32 $0x700, s6;
	s1 =	simm.s32 @!p0 $0x10;
	[sflag:s21] =	ssyncadd.s32 $0xFFFFF380  }
0x37: {  	[hbm4b:s28+s17] =	stream.strided.scatter [tilespmem:s5], [sflag:$0xB], $0xC80, s18, s17, $0x38;
	[tilespmem:$0xD400] =	vst v63  }
0x38: {  	_ =	swait.ge @!p0 [sflag:s1], $0xC80  }
0x39: {  	[sflag:s1] =	ssyncset.done @!p0 $0x0  }
0x3a: {  	s29 =	simm.s32 $0x188;
	[sflag:s1] =	ssyncadd.s32 @!p0 $0xFFFFF380  }
0x3b: {  	[tilespmem:s22], [sflag:$0x8] =	stream.indirect.gather [hbm4b:s3+s8], $0x40, s29, s8, $0xb8;
	[tilespmem:$0xD400] =	vst v63  }
0x3c: {  	_ =	swait.ge [sflag:s23], $0xC80  }
0x3d: {  	p0 =	por $0x0, $0x0;
	[sflag:s23] =	ssyncset.done $0x0  }
0x3e: {  	s30 =	sadd.s32 $0xA80, s6;
	s1 =	simm.s32 @p0 $0x5;
	[sflag:s23] =	ssyncadd.s32 $0xFFFFF380  }
0x3f: {  	[hbm4b:s30+s17] =	stream.strided.scatter [tilespmem:s7], [sflag:$0xC], $0xC80, s18, s17, $0x38;
	[tilespmem:$0xD400] =	vst v63  }
0x40: {  	s2 =	simm.s32 @p0 $0xA200;
	_ =	swait.ge @p0 [sflag:s1], $0xC80  }
0x41: {  	s4 =	simm.s32 @p0 $0x80;
	s5 =	simm.s32 @!p0 $0x9;
	[sflag:s1] =	ssyncset.done @p0 $0x0  }
0x42: {  	s0 =	rddreg [dreg:$0x3];
	[sflag:s1] =	ssyncadd.s32 @p0 $0xFFFFF380;
	s1 =	simm.s32 @p0 $0x40  }
0x43: {  	[hbm4b:s0+s1] =	stream.strided.scatter @p0 [tilespmem:s2], [sflag:$0xD], $0xC80, s4, s1, $0x38;
	[tilespmem:$0xD400] =	vst v63  }
0x44: {  	_ =	swait.ge @!p0 [sflag:s5], $0xC80  }
0x45: {  	s7 =	simm.s32 @!p0 $0x7000;
	s0 =	simm.s32 @!p0 $0x1C0;
	[sflag:s5] =	ssyncset.done @!p0 $0x0  }
0x46: {  	s2 =	simm.s32 @!p0 $0x32;
	[sflag:s5] =	ssyncadd.s32 @!p0 $0xFFFFF380;
	s5 =	simm.s32 @!p0 $0x5  }
0x47: {  	[tilespmem:s7], [sflag:$0x1] =	stream.indirect.gather @!p0 [hbm4b:s3+s2], $0x40, s0, s2, $0xb8;
	[tilespmem:$0xD400] =	vst v63  }
0x48: {  	_ =	swait.ge @!p0 [sflag:s5], $0xC80  }
0x49: {  	s10 =	sadd.s32 @!p0 $0xE00, s6;
	s0 =	simm.s32 @!p0 $0x80;
	[sflag:s5] =	ssyncset.done @!p0 $0x0  }
0x4a: {  	s7 =	simm.s32 @!p0 $0xA200;
	[sflag:s5] =	ssyncadd.s32 @!p0 $0xFFFFF380;
	s5 =	simm.s32 @!p0 $0x40  }
0x4b: {  	[hbm4b:s10+s5] =	stream.strided.scatter @!p0 [tilespmem:s7], [sflag:$0xD], $0xC80, s0, s5, $0x38;
	[tilespmem:$0xD400] =	vst v63  }
0x4c: {  	s7 =	simm.s32 @!p0 $0xA  }
0x4d: {  	_ =	swait.ge @!p0 [sflag:s7], $0xC80  }
0x4e: {  	[sflag:s7] =	ssyncset.done @!p0 $0x0  }
0x4f: {  	s10 =	simm.s32 @!p0 $0x1F8;
	[sflag:s7] =	ssyncadd.s32 @!p0 $0xFFFFF380;
	s7 =	simm.s32 @!p0 $0x7C80  }
0x50: {  	[tilespmem:s7], [sflag:$0x2] =	stream.indirect.gather @!p0 [hbm4b:s3+s2], $0x40, s10, s2, $0xb8;
	[tilespmem:$0xD400] =	vst v63  }
0x51: {  	_ =	swait.ge [sflag:s24], $0xC80  }
0x52: {  	[sflag:s24] =	ssyncset.done $0x0  }
0x53: {  	s31 =	sadd.s32 $0x1180, s6;
	s10 =	simm.s32 @p0 $0x7;
	[sflag:s24] =	ssyncadd.s32 $0xFFFFF380  }
0x54: {  	[hbm4b:s31+s17] =	stream.strided.scatter [tilespmem:s19], [sflag:$0xE], $0xC80, s18, s17, $0x38;
	[tilespmem:$0xD400] =	vst v63  }
0x55: {  	_ =	swait.ge @p0 [sflag:s10], $0xC80  }
0x56: {  	[sflag:s10] =	ssyncset.done @p0 $0x0  }
0x57: {  	s7 =	rddreg [dreg:$0x4];
	[sflag:s10] =	ssyncadd.s32 @p0 $0xFFFFF380;
	s10 =	simm.s32 @p0 $0xBB00  }
0x58: {  	[hbm4b:s7+s1] =	stream.strided.scatter @p0 [tilespmem:s10], [sflag:$0xF], $0xC80, s4, s1, $0x38;
	[tilespmem:$0xD400] =	vst v63  }
0x59: {  	s1 =	simm.s32 @!p0 $0xB  }
0x5a: {  	_ =	swait.ge @!p0 [sflag:s1], $0xC80  }
0x5b: {  	s4 =	simm.s32 @!p0 $0x230;
	[sflag:s1] =	ssyncset.done @!p0 $0x0  }
0x5c: {  	s7 =	simm.s32 @!p0 $0x8900;
	[sflag:s1] =	ssyncadd.s32 @!p0 $0xFFFFF380;
	s1 =	simm.s32 @!p0 $0x7  }
0x5d: {  	[tilespmem:s7], [sflag:$0x3] =	stream.indirect.gather @!p0 [hbm4b:s3+s2], $0x40, s4, s2, $0xb8;
	[tilespmem:$0xD400] =	vst v63  }
0x5e: {  	_ =	swait.ge @!p0 [sflag:s1], $0xC80  }
0x5f: {  	p1 =	por $0x0, $0x0;
	s12 =	simm.s32 @!p0 $0xC;
	[sflag:s1] =	ssyncset.done @!p0 $0x0  }
0x60: {  	s4 =	sadd.s32 @!p0 $0x1500, s6;
	s7 =	simm.s32 @!p0 $0xBB00;
	[sflag:s1] =	ssyncadd.s32 @!p0 $0xFFFFF380  }
0x61: {  	[hbm4b:s4+s5] =	stream.strided.scatter @!p0 [tilespmem:s7], [sflag:$0xF], $0xC80, s0, s5, $0x38;
	[tilespmem:$0xD400] =	vst v63  }
0x62: {  	s14 =	simm.s32 $0xE00;
	s10 =	simm.s32 $0x700;
	_ =	swait.ge @!p0 [sflag:s12], $0xC80  }
0x63: {  	s1 =	sadd.s32 $0x1C00, s6;
	s0 =	simm.s32 @!p0 $0x268;
	[sflag:s12] =	ssyncset.done @!p0 $0x0  }
0x64: {  	s4 =	simm.s32 @!p0 $0x9580;
	[sflag:s12] =	ssyncadd.s32 @!p0 $0xFFFFF380;
	s12 =	sadd.s32 $0x1880, s6  }
0x65: {  	[tilespmem:s4], [sflag:$0x4] =	stream.indirect.gather @!p0 [hbm4b:s3+s2], $0x40, s0, s2, $0xb8;
	[tilespmem:$0xD400] =	vst v63  }
0x66: {  	s0 =	sadd.s32 $0x1880, s1;
	s2 =	sadd.s32 $0x1C00, s1;
	_ =	swait.ge [sflag:s25], $0xC80  }
.LBB2_2:
0x67: {  	[sflag:s25] =	ssyncset.done $0x0  }
0x68: {  	s5 =	simm.s32 @!p1 $0xD;
	[sflag:s25] =	ssyncadd.s32 $0xFFFFF380  }
0x69: {  	[hbm4b:s12+s17] =	stream.strided.scatter [tilespmem:s22], [sflag:$0x10], $0xC80, s18, s17, $0x38;
	[tilespmem:$0xD400] =	vst v63  }
0x6a: {  	_ =	swait.ge @!p1 [sflag:s5], $0xC80  }
0x6b: {  	s28 =	sshra.s32 s10, $0x2;
	[sflag:s5] =	ssyncset.done @!p1 $0x0  }
0x6c: {  	s29 =	sadd.s32 $0xE0, s28;
	s26 =	rddreg [dreg:$0x5];
	[sflag:s5] =	ssyncadd.s32 @!p1 $0xFFFFF380  }
0x6d: {  	[tilespmem:s26], [sflag:$0x5] =	stream.indirect.gather [hbm4b:s3+s8], $0x40, s29, s8, $0xb8;
	[tilespmem:$0xD400] =	vst v63  }
0x6e: {  	_ =	swait.ge [sflag:s16], $0xC80  }
0x6f: {  	[sflag:s16] =	ssyncset.done $0x0  }
0x70: {  	s5 =	simm.s32 @!p1 $0xE;
	[sflag:s16] =	ssyncadd.s32 $0xFFFFF380  }
0x71: {  	[hbm4b:s1+s17] =	stream.strided.scatter [tilespmem:s13], [sflag:$0x9], $0xC80, s18, s17, $0x38;
	[tilespmem:$0xD400] =	vst v63  }
0x72: {  	_ =	swait.ge @!p1 [sflag:s5], $0xC80  }
0x73: {  	[sflag:s5] =	ssyncset.done @!p1 $0x0  }
0x74: {  	s30 =	sadd.s32 $0x118, s28;
	[sflag:s5] =	ssyncadd.s32 @!p1 $0xFFFFF380  }
0x75: {  	[tilespmem:s19], [sflag:$0x6] =	stream.indirect.gather [hbm4b:s3+s8], $0x40, s30, s8, $0xb8;
	[tilespmem:$0xD400] =	vst v63  }
0x76: {  	_ =	swait.ge [sflag:s20], $0xC80  }
0x77: {  	[sflag:s20] =	ssyncset.done $0x0  }
0x78: {  	s31 =	sadd.s32 $0x380, s1;
	s26 =	simm.s32 @!p1 $0xF;
	[sflag:s20] =	ssyncadd.s32 $0xFFFFF380  }
0x79: {  	[hbm4b:s31+s17] =	stream.strided.scatter [tilespmem:s15], [sflag:$0xA], $0xC80, s18, s17, $0x38;
	[tilespmem:$0xD400] =	vst v63  }
0x7a: {  	_ =	swait.ge @!p1 [sflag:s26], $0xC80  }
0x7b: {  	[sflag:s26] =	ssyncset.done @!p1 $0x0  }
0x7c: {  	s9 =	sadd.s32 $0x150, s28;
	s6 =	rddreg [dreg:$0x6];
	[sflag:s26] =	ssyncadd.s32 @!p1 $0xFFFFF380  }
0x7d: {  	[tilespmem:s6], [sflag:$0x7] =	stream.indirect.gather [hbm4b:s3+s8], $0x40, s9, s8, $0xb8;
	[tilespmem:$0xD400] =	vst v63  }
0x7e: {  	_ =	swait.ge [sflag:s21], $0xC80  }
0x7f: {  	s11 =	sadd.s32 $0x700, s1;
	[sflag:s21] =	ssyncset.done $0x0  }
0x80: {  	s26 =	simm.s32 @!p1 $0x10;
	s6 =	simm.s32 $0x8900;
	[sflag:s21] =	ssyncadd.s32 $0xFFFFF380  }
0x81: {  	[hbm4b:s11+s17] =	stream.strided.scatter [tilespmem:s6], [sflag:$0xB], $0xC80, s18, s17, $0x38;
	[tilespmem:$0xD400] =	vst v63  }
0x82: {  	s4 =	smov.u32 s14;
	_ =	swait.ge @!p1 [sflag:s26], $0xC80  }
0x83: {  	s7 =	sadd.s32 $0x1880, s2;
	s28 =	sadd.s32 $0x188, s28;
	[sflag:s26] =	ssyncset.done @!p1 $0x0  }
0x84: {  	s12 =	smov.u32 s0;
	s0 =	smov.u32 s7;
	[sflag:s26] =	ssyncadd.s32 @!p1 $0xFFFFF380  }
0x85: {  	[tilespmem:s22], [sflag:$0x8] =	stream.indirect.gather [hbm4b:s3+s8], $0x40, s28, s8, $0xb8;
	[tilespmem:$0xD400] =	vst v63  }
0x86: {  	s29 =	sadd.s32 $0xA80, s1;
	p1 =	seq.s32 s10, $0x1B900;
	_ =	swait.ge [sflag:s23], $0xC80  }
0x87: {  	s30 =	simm.s32 $0x9580;
	s7 =	simm.s32 @p1 $0x5;
	[sflag:s23] =	ssyncset.done $0x0  }
0x88: {  	s10 =	sshra.s32 @!p1 s10, $0x2;
	s28 =	simm.s32 @p1 $0x40;
	[sflag:s23] =	ssyncadd.s32 $0xFFFFF380  }
0x89: {  	[hbm4b:s29+s17] =	stream.strided.scatter [tilespmem:s30], [sflag:$0xC], $0xC80, s18, s17, $0x38;
	[tilespmem:$0xD400] =	vst v63  }
0x8a: {  	s6 =	simm.s32 @p1 $0x80;
	s9 =	simm.s32 @!p1 $0x9;
	_ =	swait.ge @p1 [sflag:s7], $0xC80  }
0x8b: {  	s26 =	sadd.s32 @!p1 $0x1C0, s10;
	s5 =	sadd.s32 @!p1 $0x268, s10;
	[sflag:s7] =	ssyncset.done @p1 $0x0  }
0x8c: {  	s30 =	simm.s32 @p1 $0xA200;
	s31 =	rddreg [dreg:$0x3];
	[sflag:s7] =	ssyncadd.s32 @p1 $0xFFFFF380  }
0x8d: {  	[hbm4b:s31+s28] =	stream.strided.scatter @p1 [tilespmem:s30], [sflag:$0xD], $0xC80, s6, s28, $0x38;
	[tilespmem:$0xD400] =	vst v63  }
0x8e: {  	s29 =	sadd.s32 @!p1 $0x1F8, s10;
	s7 =	sadd.s32 @!p1 $0x230, s10;
	_ =	swait.ge @!p1 [sflag:s9], $0xC80  }
0x8f: {  	s10 =	smov.u32 s4;
	s4 =	simm.s32 @!p1 $0x32;
	[sflag:s9] =	ssyncset.done @!p1 $0x0  }
0x90: {  	s30 =	simm.s32 @!p1 $0x7000;
	[sflag:s9] =	ssyncadd.s32 @!p1 $0xFFFFF380;
	s9 =	simm.s32 @!p1 $0x5  }
0x91: {  	[tilespmem:s30], [sflag:$0x1] =	stream.indirect.gather @!p1 [hbm4b:s3+s4], $0x40, s26, s4, $0xb8;
	[tilespmem:$0xD400] =	vst v63  }
0x92: {  	s11 =	simm.s32 @!p1 $0x40;
	_ =	swait.ge @!p1 [sflag:s9], $0xC80  }
0x93: {  	s31 =	sadd.s32 @!p1 $0xE00, s1;
	s26 =	simm.s32 @!p1 $0x80;
	[sflag:s9] =	ssyncset.done @!p1 $0x0  }
0x94: {  	s30 =	simm.s32 @!p1 $0xA200;
	[sflag:s9] =	ssyncadd.s32 @!p1 $0xFFFFF380;
	s9 =	simm.s32 @!p1 $0xA  }
0x95: {  	[hbm4b:s31+s11] =	stream.strided.scatter @!p1 [tilespmem:s30], [sflag:$0xD], $0xC80, s26, s11, $0x38;
	[tilespmem:$0xD400] =	vst v63  }
0x96: {  	_ =	swait.ge @!p1 [sflag:s9], $0xC80  }
0x97: {  	[sflag:s9] =	ssyncset.done @!p1 $0x0  }
0x98: {  	s30 =	simm.s32 @!p1 $0x7C80;
	[sflag:s9] =	ssyncadd.s32 @!p1 $0xFFFFF380  }
0x99: {  	[tilespmem:s30], [sflag:$0x2] =	stream.indirect.gather @!p1 [hbm4b:s3+s4], $0x40, s29, s4, $0xb8;
	[tilespmem:$0xD400] =	vst v63  }
0x9a: {  	_ =	swait.ge [sflag:s24], $0xC80  }
0x9b: {  	[sflag:s24] =	ssyncset.done $0x0  }
0x9c: {  	s31 =	sadd.s32 $0x1180, s1;
	s29 =	simm.s32 @p1 $0x7;
	[sflag:s24] =	ssyncadd.s32 $0xFFFFF380  }
0x9d: {  	[hbm4b:s31+s17] =	stream.strided.scatter [tilespmem:s19], [sflag:$0xE], $0xC80, s18, s17, $0x38;
	[tilespmem:$0xD400] =	vst v63  }
0x9e: {  	_ =	swait.ge @p1 [sflag:s29], $0xC80  }
0x9f: {  	s30 =	simm.s32 @!p1 $0xB;
	[sflag:s29] =	ssyncset.done @p1 $0x0  }
0xa0: {  	s9 =	rddreg [dreg:$0x4];
	[sflag:s29] =	ssyncadd.s32 @p1 $0xFFFFF380;
	s29 =	simm.s32 @p1 $0xBB00  }
0xa1: {  	[hbm4b:s9+s28] =	stream.strided.scatter @p1 [tilespmem:s29], [sflag:$0xF], $0xC80, s6, s28, $0x38;
	[tilespmem:$0xD400] =	vst v63  }
0xa2: {  	_ =	swait.ge @!p1 [sflag:s30], $0xC80  }
0xa3: {  	[sflag:s30] =	ssyncset.done @!p1 $0x0  }
0xa4: {  	s6 =	simm.s32 @!p1 $0x8900;
	s9 =	simm.s32 @!p1 $0x7;
	[sflag:s30] =	ssyncadd.s32 @!p1 $0xFFFFF380  }
0xa5: {  	[tilespmem:s6], [sflag:$0x3] =	stream.indirect.gather @!p1 [hbm4b:s3+s4], $0x40, s7, s4, $0xb8;
	[tilespmem:$0xD400] =	vst v63  }
0xa6: {  	s14 =	sadd.s32 $0x700, s14;
	_ =	swait.ge @!p1 [sflag:s9], $0xC80  }
0xa7: {  	p0 =	sne.s32 s14, $0x1C000;
	s6 =	sadd.s32 @!p1 $0x1500, s1;
	[sflag:s9] =	ssyncset.done @!p1 $0x0  }
0xa8: {  	s7 =	simm.s32 @!p1 $0xBB00;
	[sflag:s9] =	ssyncadd.s32 @!p1 $0xFFFFF380;
	s9 =	simm.s32 @!p1 $0xC  }
0xa9: {  	[hbm4b:s6+s11] =	stream.strided.scatter @!p1 [tilespmem:s7], [sflag:$0xF], $0xC80, s26, s11, $0x38;
	[tilespmem:$0xD400] =	vst v63  }
.Ltmp0:
0xaa: {  	_ =	swait.ge @!p1 [sflag:s9], $0xC80;
	(pc) =	sbr.rel @p0 .LBB2_2-.Ltmp0, $4  }
0xab: {  	[sflag:s9] =	ssyncset.done @!p1 $0x0  }
0xac: {  	s1 =	smov.u32 s2;
	s6 =	simm.s32 @!p1 $0x9580;
	[sflag:s9] =	ssyncadd.s32 @!p1 $0xFFFFF380  }
0xad: {  	[tilespmem:s6], [sflag:$0x4] =	stream.indirect.gather @!p1 [hbm4b:s3+s4], $0x40, s5, s4, $0xb8;
	[tilespmem:$0xD400] =	vst v63  }
0xae: {  	s2 =	sadd.s32 $0x1C00, s2;
	p1 =	seq.s32 s10, $0x0;
	_ =	swait.ge [sflag:s25], $0xC80  }
0xaf: {  	[sflag:s25] =	ssyncset.done $0x0  }
0xb0: {  	s2 =	simm.s32 @!p1 $0xD;
	[sflag:s25] =	ssyncadd.s32 $0xFFFFF380  }
0xb1: {  	[hbm4b:s12+s17] =	stream.strided.scatter [tilespmem:s22], [sflag:$0x10], $0xC80, s18, s17, $0x38;
	[tilespmem:$0xD400] =	vst v63  }
0xb2: {  	_ =	swait.ge @!p1 [sflag:s2], $0xC80  }
0xb3: {  	s5 =	sshra.s32 s10, $0x2;
	[sflag:s2] =	ssyncset.done @!p1 $0x0  }
0xb4: {  	s14 =	sadd.s32 $0xE0, s5;
	s4 =	rddreg [dreg:$0x5];
	[sflag:s2] =	ssyncadd.s32 @!p1 $0xFFFFF380  }
0xb5: {  	[tilespmem:s4], [sflag:$0x5] =	stream.indirect.gather [hbm4b:s3+s8], $0x40, s14, s8, $0xb8;
	[tilespmem:$0xD400] =	vst v63  }
0xb6: {  	_ =	swait.ge [sflag:s16], $0xC80  }
0xb7: {  	[sflag:s16] =	ssyncset.done $0x0  }
0xb8: {  	s2 =	simm.s32 @!p1 $0xE;
	[sflag:s16] =	ssyncadd.s32 $0xFFFFF380  }
0xb9: {  	[hbm4b:s1+s17] =	stream.strided.scatter [tilespmem:s13], [sflag:$0x9], $0xC80, s18, s17, $0x38;
	[tilespmem:$0xD400] =	vst v63  }
0xba: {  	_ =	swait.ge @!p1 [sflag:s2], $0xC80  }
0xbb: {  	[sflag:s2] =	ssyncset.done @!p1 $0x0  }
0xbc: {  	s26 =	sadd.s32 $0x118, s5;
	[sflag:s2] =	ssyncadd.s32 @!p1 $0xFFFFF380  }
0xbd: {  	[tilespmem:s19], [sflag:$0x6] =	stream.indirect.gather [hbm4b:s3+s8], $0x40, s26, s8, $0xb8;
	[tilespmem:$0xD400] =	vst v63  }
0xbe: {  	_ =	swait.ge [sflag:s20], $0xC80  }
0xbf: {  	[sflag:s20] =	ssyncset.done $0x0  }
0xc0: {  	s28 =	sadd.s32 $0x380, s1;
	s4 =	simm.s32 @!p1 $0xF;
	[sflag:s20] =	ssyncadd.s32 $0xFFFFF380  }
0xc1: {  	[hbm4b:s28+s17] =	stream.strided.scatter [tilespmem:s15], [sflag:$0xA], $0xC80, s18, s17, $0x38;
	[tilespmem:$0xD400] =	vst v63  }
0xc2: {  	_ =	swait.ge @!p1 [sflag:s4], $0xC80  }
0xc3: {  	[sflag:s4] =	ssyncset.done @!p1 $0x0  }
0xc4: {  	s30 =	sadd.s32 $0x150, s5;
	s29 =	rddreg [dreg:$0x6];
	[sflag:s4] =	ssyncadd.s32 @!p1 $0xFFFFF380  }
0xc5: {  	[tilespmem:s29], [sflag:$0x7] =	stream.indirect.gather [hbm4b:s3+s8], $0x40, s30, s8, $0xb8;
	[tilespmem:$0xD400] =	vst v63  }
0xc6: {  	_ =	swait.ge [sflag:s21], $0xC80  }
0xc7: {  	s31 =	sadd.s32 $0x700, s1;
	[sflag:s21] =	ssyncset.done $0x0  }
0xc8: {  	s6 =	simm.s32 $0x8900;
	s4 =	simm.s32 @!p1 $0x10;
	[sflag:s21] =	ssyncadd.s32 $0xFFFFF380  }
0xc9: {  	[hbm4b:s31+s17] =	stream.strided.scatter [tilespmem:s6], [sflag:$0xB], $0xC80, s18, s17, $0x38;
	[tilespmem:$0xD400] =	vst v63  }
0xca: {  	_ =	swait.ge @!p1 [sflag:s4], $0xC80  }
0xcb: {  	[sflag:s4] =	ssyncset.done @!p1 $0x0  }
0xcc: {  	s7 =	sadd.s32 $0x188, s5;
	[sflag:s4] =	ssyncadd.s32 @!p1 $0xFFFFF380  }
0xcd: {  	[tilespmem:s22], [sflag:$0x8] =	stream.indirect.gather [hbm4b:s3+s8], $0x40, s7, s8, $0xb8;
	[tilespmem:$0xD400] =	vst v63  }
0xce: {  	_ =	swait.ge [sflag:s23], $0xC80  }
0xcf: {  	p0 =	seq.s32 s10, $0x1B900;
	s9 =	sadd.s32 $0xA80, s1;
	[sflag:s23] =	ssyncset.done $0x0  }
0xd0: {  	s11 =	simm.s32 $0x9580;
	s4 =	simm.s32 @p0 $0x5;
	[sflag:s23] =	ssyncadd.s32 $0xFFFFF380  }
0xd1: {  	[hbm4b:s9+s17] =	stream.strided.scatter [tilespmem:s11], [sflag:$0xC], $0xC80, s18, s17, $0x38;
	[tilespmem:$0xD400] =	vst v63  }
0xd2: {  	s5 =	simm.s32 @p0 $0xA200;
	_ =	swait.ge @p0 [sflag:s4], $0xC80  }
0xd3: {  	s6 =	simm.s32 @p0 $0x80;
	s7 =	simm.s32 @!p0 $0x9;
	[sflag:s4] =	ssyncset.done @p0 $0x0  }
0xd4: {  	s2 =	rddreg [dreg:$0x3];
	[sflag:s4] =	ssyncadd.s32 @p0 $0xFFFFF380;
	s4 =	simm.s32 @p0 $0x40  }
0xd5: {  	[hbm4b:s2+s4] =	stream.strided.scatter @p0 [tilespmem:s5], [sflag:$0xD], $0xC80, s6, s4, $0x38;
	[tilespmem:$0xD400] =	vst v63  }
0xd6: {  	s9 =	simm.s32 @!p0 $0x32;
	_ =	swait.ge @!p0 [sflag:s7], $0xC80  }
0xd7: {  	s2 =	sshra.s32 @!p0 s10, $0x2;
	s10 =	simm.s32 @!p0 $0x7000;
	[sflag:s7] =	ssyncset.done @!p0 $0x0  }
0xd8: {  	s5 =	sadd.s32 @!p0 $0x1C0, s2;
	[sflag:s7] =	ssyncadd.s32 @!p0 $0xFFFFF380;
	s7 =	simm.s32 @!p0 $0x5  }
0xd9: {  	[tilespmem:s10], [sflag:$0x1] =	stream.indirect.gather @!p0 [hbm4b:s3+s9], $0x40, s5, s9, $0xb8;
	[tilespmem:$0xD400] =	vst v63  }
0xda: {  	_ =	swait.ge @!p0 [sflag:s7], $0xC80  }
0xdb: {  	s11 =	sadd.s32 @!p0 $0xE00, s1;
	s5 =	simm.s32 @!p0 $0x80;
	[sflag:s7] =	ssyncset.done @!p0 $0x0  }
0xdc: {  	s10 =	simm.s32 @!p0 $0xA200;
	[sflag:s7] =	ssyncadd.s32 @!p0 $0xFFFFF380;
	s7 =	simm.s32 @!p0 $0x40  }
0xdd: {  	[hbm4b:s11+s7] =	stream.strided.scatter @!p0 [tilespmem:s10], [sflag:$0xD], $0xC80, s5, s7, $0x38;
	[tilespmem:$0xD400] =	vst v63  }
0xde: {  	s10 =	simm.s32 @!p0 $0xA  }
0xdf: {  	_ =	swait.ge @!p0 [sflag:s10], $0xC80  }
0xe0: {  	[sflag:s10] =	ssyncset.done @!p0 $0x0  }
0xe1: {  	s11 =	sadd.s32 @!p0 $0x1F8, s2;
	[sflag:s10] =	ssyncadd.s32 @!p0 $0xFFFFF380;
	s10 =	simm.s32 @!p0 $0x7C80  }
0xe2: {  	[tilespmem:s10], [sflag:$0x2] =	stream.indirect.gather @!p0 [hbm4b:s3+s9], $0x40, s11, s9, $0xb8;
	[tilespmem:$0xD400] =	vst v63  }
0xe3: {  	_ =	swait.ge [sflag:s24], $0xC80  }
0xe4: {  	[sflag:s24] =	ssyncset.done $0x0  }
0xe5: {  	s12 =	sadd.s32 $0x1180, s1;
	s11 =	simm.s32 @p0 $0x7;
	[sflag:s24] =	ssyncadd.s32 $0xFFFFF380  }
0xe6: {  	[hbm4b:s12+s17] =	stream.strided.scatter [tilespmem:s19], [sflag:$0xE], $0xC80, s18, s17, $0x38;
	[tilespmem:$0xD400] =	vst v63  }
0xe7: {  	_ =	swait.ge @p0 [sflag:s11], $0xC80  }
0xe8: {  	[sflag:s11] =	ssyncset.done @p0 $0x0  }
0xe9: {  	s10 =	rddreg [dreg:$0x4];
	[sflag:s11] =	ssyncadd.s32 @p0 $0xFFFFF380;
	s11 =	simm.s32 @p0 $0xBB00  }
0xea: {  	[hbm4b:s10+s4] =	stream.strided.scatter @p0 [tilespmem:s11], [sflag:$0xF], $0xC80, s6, s4, $0x38;
	[tilespmem:$0xD400] =	vst v63  }
0xeb: {  	s4 =	simm.s32 @!p0 $0xB  }
0xec: {  	_ =	swait.ge @!p0 [sflag:s4], $0xC80  }
0xed: {  	[sflag:s4] =	ssyncset.done @!p0 $0x0  }
0xee: {  	s6 =	sadd.s32 @!p0 $0x230, s2;
	[sflag:s4] =	ssyncadd.s32 @!p0 $0xFFFFF380;
	s4 =	simm.s32 @!p0 $0x8900  }
0xef: {  	[tilespmem:s4], [sflag:$0x3] =	stream.indirect.gather @!p0 [hbm4b:s3+s9], $0x40, s6, s9, $0xb8;
	[tilespmem:$0xD400] =	vst v63  }
0xf0: {  	s4 =	simm.s32 @!p0 $0x7  }
0xf1: {  	_ =	swait.ge @!p0 [sflag:s4], $0xC80  }
0xf2: {  	[sflag:s4] =	ssyncset.done @!p0 $0x0  }
0xf3: {  	s1 =	sadd.s32 @!p0 $0x1500, s1;
	[sflag:s4] =	ssyncadd.s32 @!p0 $0xFFFFF380;
	s4 =	simm.s32 @!p0 $0xBB00  }
0xf4: {  	[hbm4b:s1+s7] =	stream.strided.scatter @!p0 [tilespmem:s4], [sflag:$0xF], $0xC80, s5, s7, $0x38;
	[tilespmem:$0xD400] =	vst v63  }
0xf5: {  	s1 =	simm.s32 @!p0 $0xC  }
0xf6: {  	_ =	swait.ge @!p0 [sflag:s1], $0xC80  }
0xf7: {  	[sflag:s1] =	ssyncset.done @!p0 $0x0  }
0xf8: {  	s2 =	sadd.s32 @!p0 $0x268, s2;
	[sflag:s1] =	ssyncadd.s32 @!p0 $0xFFFFF380;
	s1 =	simm.s32 @!p0 $0x9580  }
0xf9: {  	[tilespmem:s1], [sflag:$0x4] =	stream.indirect.gather @!p0 [hbm4b:s3+s9], $0x40, s2, s9, $0xb8;
	[tilespmem:$0xD400] =	vst v63  }
0xfa: {  	_ =	swait.ge [sflag:s25], $0xC80  }
0xfb: {  	[sflag:s25] =	ssyncset.done $0x0  }
0xfc: {  	s14 =	simm.s32 $0xD;
	[sflag:s25] =	ssyncadd.s32 $0xFFFFF380  }
0xfd: {  	[hbm4b:s0+s17] =	stream.strided.scatter [tilespmem:s22], [sflag:$0x10], $0xC80, s18, s17, $0x38;
	[tilespmem:$0xD400] =	vst v63  }
0xfe: {  	_ =	swait.ge [sflag:s14], $0xC80  }
0xff: {  	[sflag:s14] =	ssyncset.done $0x0  }
0x100: {  	s26 =	simm.s32 $0xE;
	[sflag:s14] =	ssyncadd.s32 $0xFFFFF380  }
0x101: {  	_ =	swait.ge [sflag:s26], $0xC80  }
0x102: {  	[sflag:s26] =	ssyncset.done $0x0  }
0x103: {  	s28 =	simm.s32 $0xF;
	[sflag:s26] =	ssyncadd.s32 $0xFFFFF380  }
0x104: {  	_ =	swait.ge [sflag:s28], $0xC80  }
0x105: {  	[sflag:s28] =	ssyncset.done $0x0  }
0x106: {  	s29 =	simm.s32 $0x10;
	[sflag:s28] =	ssyncadd.s32 $0xFFFFF380  }
0x107: {  	_ =	swait.ge [sflag:s29], $0xC80  }
0x108: {  	s30 =	rddreg [dreg:$0xa]  }
0x109: {  	s31 =	rddreg [dreg:$0x8];
	s2 =	sadd.s32 $0x1, s30  }
0x10a: {  	p0 =	sne.s32 s2, s31  }
.Ltmp1:
0x10b: {  	_ = 	snop;
	(pc) =	sbr.rel @p0 .LBB2_1-.Ltmp1, $3  }
0x10c: {  	_ =	sdelay $0x1  }
0x10d: {  	[sflag:s29] =	ssyncset.done $0x0  }
0x10e: {  	[sflag:s29] =	ssyncadd.s32 $0xFFFFF380  }
0x10f: {  	_ =	sfence.sel $0x180000  }
0x110: {  	[bflag:$0x0] =	sbarrier.arrive $0xFFFF  }
0x111: {  	_ =	strace $0x90000047  }
0x112: {  	s0 =	stileid.u32;
	[bflag:$0x2] =	sbarrier.arrive $0xFFFF  }
0x113: {  	p0 =	sne.s32 s0, $0x0;
	s0 =	rddreg [dreg:$0x2]  }
0x114: {  	s0 =	sadd.s32 @!p0 $0x100000, s0  }
0x115: {  	[sflag:s0] =	ssyncadd.tile.s32 @!p0 $0x1;
	_ =	shalt  }
.Lfunc_end2:
_tile_overlayer_lowered:
.L_overlay_start_2:
0x116: {  	(tag) =	ssettag $0x2  }
0x117: {  	s0 =	rddreg [dreg:$0x0];
	s2 =	stileid.u32  }
0x118: {  	s1 =	rddreg [dreg:$0x1];
	p0 =	sne.s32 s2, $0x0  }
0x119: {  	s3 =	rddreg [dreg:$0x2];
	[bflag:$0x3] =	sbarrier.arrive $0xFFFF;
	s2 =	simm.s32 @!p0 $0x1C11  }
0x11a: {  	[timem:s3], [sflag:s2] =	dma.local @!p0 [hbm:s0], s1  }
0x11b: {  	s0 =	simm.s32 @!p0 $0x11  }
0x11c: {  	_ =	swait.ge @!p0 [sflag:s0], s1  }
0x11d: {  	s1 =	ssub.s32 @!p0 $0x0, s1;
	[sflag:s0] =	ssyncset.done @!p0 $0x0  }
0x11e: {  	[sflag:s0] =	ssyncadd.s32 @!p0 s1  }
0x11f: {  	[bflag:$0x3] =	sbarrier.arrive $0xFFFF  }
0x120: {  	_ =	shalt  }

// kernel: sparse-core-data-format-call.cloned.1.call-start
scs
called_computation_lowered:
.L_overlay_start_0:
0x0: {  	s2 =	sld [smem:$0x3FD9]  }
0x1: {  	s3 =	sld [smem:$0x3FFE];
	_ =	sdelay $0x1  }
0x2: {  	s1 =	srdreg.scid  }
0x3: {  	s0 =	sand.u32 $0x1, s1  }
0x4: {  	s18 =	sshll.u32 s0, $0xA;
	s2 =	sadd.s32 s3, s2  }
0x5: {  	s2 =	sadd.s32 s2, s18  }
0x6: {  	[smem:$0x3FC6] =	sst s2  }
0x7: {  	_ = 	snop  }
0x8: {  	s2 =	sld [smem:$0x3FD0];
	(tm) =	ssettm $0x1  }
0x9: {  	s19 =	sld [smem:$0x3FFB];
	_ =	sdelay $0x3  }
0xa: {  	_ =	strace s19  }
0xb: {  	s3 =	sld [smem:$0x3FFC];
	_ =	sdelay $0x3  }
0xc: {  	_ =	strace s3  }
0xd: {  	s3 =	sld [smem:$0x3FFD];
	_ =	sdelay $0x3  }
0xe: {  	_ =	strace s3  }
0xf: {  	_ =	strace $0x8FFFFFFF  }
0x10: {  	s20 =	sld [smem:$0x3FDB];
	_ =	sdelay $0x1  }
0x11: {  	s4 =	simm.s32 $_scs_section_size  }
0x12: {  	s5 =	simm.s32 $_size__tile_overlayer_lowered;
	s6 =	simm.s32 $_tile_overlayer_lowered  }
0x13: {  	s23 =	simm.s32 $0x1BFF;
	s22 =	sshll.u32 s6, $0x1;
	s3 =	sadd.s32 s4, s20  }
0x14: {  	s7 =	simm.s32 $0x0;
	s21 =	sshll.u32 s5, $0x1;
	s5 =	sadd.s32 s22, s3  }
0x15: {  	[timem:s7], [sflag:s23] =	dma.local [hbm:s5], s21  }
0x16: {  	_ =	swait.ge [sflag:s23], s21  }
0x17: {  	s4 =	ssub.s32 $0x0, s21;
	[sflag:s23] =	ssyncset.done $0x0  }
0x18: {  	[sflag:s23] =	ssyncadd.s32 s4;
	_ =	sdelay $0x1  }
0x19: {  	s24 =	simm.s32 $0x1B8B  }
0x1a: {  	_ =	swait.ge [sflag:s24], $0x1  }
0x1b: {  	[sflag:s24] =	ssyncset.done $0x0  }
0x1c: {  	s26 =	simm.s32 $0x1B8E;
	s25 =	sld [smem:$0x3FFE];
	[sflag:s24] =	ssyncadd.s32 $0xFFFFFFFF  }
0x1d: {  	s27 =	simm.s32 $execute0_lowered;
	[smem:$0x3FD2] =	sst s26  }
0x1e: {  	s5 =	sshll.u32 s27, $0x1;
	_ =	strace $0x80000049;
	[dreg:$0x1] =	wrdreg $0xFFFFFFFF  }
0x1f: {  	s28 =	simm.s32 $_size_execute0_lowered;
	s3 =	sadd.s32 s3, s5;
	[dreg:$0x0] =	wrdreg $0x0  }
0x20: {  	s5 =	sshll.u32 s28, $0x1;
	[dreg:$0x2] =	wrdreg s3  }
0x21: {  	[dreg:$0x3] =	wrdreg s5  }
0x22: {  	[dreg:$0x4] =	wrdreg $0xC0  }
0x23: {  	_ =	task [dreg:s7], $0x5FFFF  }
0x24: {  	[dreg:$0x1] =	wrdreg $0xFFFFFFFF  }
0x25: {  	[dreg:$0x0] =	wrdreg $0x60  }
0x26: {  	[dreg:$0x2] =	wrdreg s25  }
0x27: {  	[dreg:$0x3] =	wrdreg s2  }
0x28: {  	[dreg:$0x4] =	wrdreg $0x9  }
0x29: {  	_ =	task.clear_ibuf [dreg:s7], $0x5FFFF;
	_ =	strace $0x90000049  }
0x2a: {  	s29 =	simm.s32 $0x9;
	_ =	strace $0x8000004B  }
0x2b: {  	_ =	swait.ge [sflag:s29], $0x1  }
0x2c: {  	[sflag:s29] =	ssyncadd.s32 $0xFFFFFFFF  }
0x2d: {  	_ =	strace $0x9000004B  }
0x2e: {  	_ =	sfence  }
0x2f: {  	s30 =	sld [smem:$0x0];
	_ =	sdelay $0x2  }
0x30: {  	s31 =	sshll.u32 s1, $0xD;
	s1 =	sshrl.u32 s1, $0x2  }
0x31: {  	s3 =	sand.u32 $0x4000, s31;
	s1 =	sadd.s32 s1, s30  }
0x32: {  	s0 =	sor.u32 s3, s0;
	s1 =	sshll.u32 s1, $0x11  }
0x33: {  	s0 =	sor.u32 s1, s0  }
0x34: {  	s0 =	sadd.s32 $0x8F2B, s0  }
0x35: {  	[sflag:s0] =	ssyncadd.remote.s32 $0x1  }
0x36: {  	_ =	sfence.sel $0xFFFF  }
0x37: {  	[dreg:$0x0] =	wrdreg $0xFFFFFFFF;
	(pc) =	sbr.abs _section_cstart, $3  }
0x38: {  	[dreg:$0x1] =	wrdreg $0xFFFFFFFF  }
0x39: {  	_ =	task.clear_ibuf [dreg:s7], $0x2FFFF;
	_ =	strace $0x9FFFFFFF  }
0x3a: {  	(tm) =	ssettm $0x7FFFFFFF  }
0x3b: {  	_ =	shalt  }
tec
execute0_lowered:
.L_overlay_start_1:
0x0: {  	(tag) =	ssettag $0x1  }
0x1: {  	s0 =	srdreg.scid  }
0x2: {  	s1 =	sshll.u32 s0, $0x4  }
0x3: {  	s0 =	stileid.u32;
	s1 =	sand.u32 $0x10, s1  }
0x4: {  	s1 =	sor.u32 s0, s1  }
0x5: {  	s6 =	rddreg [dreg:$0x0];
	s4 =	simm.s32 $0x1;
	s2 =	sshll.u32 s1, $0x7  }
0x6: {  	s7 =	simm.s32 $0x2;
	s12 =	simm.s32 $0x0;
	s1 =	ssub.s32 $0x4000, s2  }
0x7: {  	s8 =	simm.s32 $0x20000;
	s13 =	simm.s32 $0x0;
	s3 =	sand.u32 $0xF80, s1  }
0x8: {  	s9 =	simm.s32 $0x0;
	s5 =	sshrl.u32 s1, $0xC;
	p0 =	sne.s32 s3, $0x0  }
.Ltmp0:
0x9: {  	s1 =	rddreg [dreg:$0x2];
	s4 =	simm.s32 @!p0 $0x0;
	(pc) =	sbr.rel .LBB1_1-.Ltmp0, $4  }
0xa: {  	s11 =	simm.s32 $0x0;
	s3 =	rddreg [dreg:$0x1];
	s5 =	sadd.s32 s4, s5  }
0xb: {  	_ =	strace $0x8000004A;
	s4 =	simm.s32 $0x1;
	s5 =	smul.u32 $0x32, s5  }
0xc: {  	s6 =	sadd.s32 $0xA00, s6;
	s10 =	smov.u32 s2;
	[sflag:s4] =	ssyncpa.u1 $0x0  }
0xd: {  	p0 =	por $0x0, $0x0;
	[sflag:s7] =	ssyncpa.u1 $0x0;
	s7 =	sor.u32 $0x1, s5  }
.LBB1_4:
0xe: {  	s16 =	sshll.u32 s13, $0x3;
	s17 =	sand.u32 $0x78, s13  }
0xf: {  	s30 =	sand.u32 $0x1F800, s13;
	s12 =	sshll.u32 s12, $0x11;
	s16 =	sand.u32 $0x3C00, s16  }
0x10: {  	[tilespmem:s15+$0x810 ss:$0x81] =	vst.msk $0xffff, v2;
	s31 =	sand.u32 $0x7, s13;
	s16 =	sor.u32 s17, s16;
	s17 =	sadd.s32 s3, s30  }
0x11: {  	[tilespmem:s15+$0x1020 ss:$0x81] =	vst.msk $0xffff, v0;
	s13 =	sshll.u32 s31, $0x12;
	s12 =	sadd.s32 s12, s17;
	s16 =	sshrl.u32 s16, $0x3  }
0x12: {  	[tilespmem:s15+$0x0 ss:$0x81] =	vst.msk $0xffff, v1;
	s13 =	sor.u32 $0x400, s13;
	s12 =	sadd.s32 s16, s12  }
0x13: {  	[hbm4b:s12+s13] =	stream.strided.scatter [tilespmem:s14], [sflag:$0x2], $0x2000, s8, s13, $0x20;
	[tilespmem:$0x8080] =	vst v63  }
.LBB1_5:
0x14: {  	s14 =	sadd.s32 $0x1, s9  }
0x15: {  	s12 =	sadd.s32 $0x1000, s10;
	s16 =	smov.u32 s10;
	p2 =	sgt.s32 s14, $0x31  }
0x16: {  	s16 =	smov.u32 @p2 s12  }
0x17: {  	s14 =	simm.s32 @p2 $0x0;
	p2 =	sgt.s32 s16, $0x3FFF  }
0x18: {  	s16 =	smov.u32 @p2 s2;
	p2 =	sne.s32 s11, s7  }
.Ltmp1:
0x19: {  	p1 =	slt.u32 s11, $0x2;
	(pc) =	sbr.rel @!p2 .LBB1_6-.Ltmp1, $4  }
0x1a: {  	s15 =	simm.s32 @!p1 $0x2  }
0x1b: {  	s13 =	smov.u32 s10;
	p0 =	por !p0, !p0;
	_ =	swait.ge @!p1 [sflag:s15], $0x2000  }
0x1c: {  	s12 =	smov.u32 s9;
	[sflag:s15] =	ssyncset.done @!p1 $0x0;
	s9 =	smov.u32 s14  }
0x1d: {  	s11 =	sadd.s32 $0x1, s11;
	[sflag:s15] =	ssyncadd.s32 @!p1 $0xFFFFE000;
	s10 =	smov.u32 s16  }
.LBB1_1:
0x1e: {  	p1 =	sge.u32 s11, s5  }
0x1f: {  	s14 =	sand.u32 @!p1 $0x1FFFFFF, s9  }
0x20: {  	s15 =	smulhi.u32 @!p1 $0x4924925, s14;
	_ =	sdelay $0x1  }
0x21: {  	s15 =	smul.u32 @!p1 $0x38, s15  }
0x22: {  	s16 =	sxor.u32 @!p1 $0xFFFFFFFF, s11;
	s17 =	smul.u32 @!p1 $0x380, s10  }
0x23: {  	s31 =	sadd.s32 $0xFFFFFFFF, s11;
	s16 =	sshll.u32 @!p1 s16, $0xD;
	s14 =	ssub.s32 @!p1 s14, s15  }
0x24: {  	s15 =	sand.u32 @!p1 $0x2000, s16;
	s16 =	sadd.s32 @!p1 s6, s17;
	s14 =	sshll.u32 @!p1 s14, $0x4  }
0x25: {  	s17 =	simm.s32 @!p1 $0x1C00;
	s14 =	sadd.s32 @!p1 s14, s16;
	s16 =	simm.s32 @!p1 $0x40  }
0x26: {  	[tilespmem:s15], [sflag:$0x1] =	stream.strided.gather @!p1 [hbm4b:s14+s16], $0x2000, s17, s16, $0x38;
	[tilespmem:$0x8080] =	vst v63  }
0x27: {  	p1 =	sge.u32 s31, s5  }
.Ltmp2:
0x28: {  	_ = 	snop;
	(pc) =	sbr.rel @p1 .LBB1_5-.Ltmp2, $1  }
0x29: {  	_ =	sdelay $0x3  }
0x2a: {  	s14 =	simm.s32 $0x1  }
0x2b: {  	_ =	swait.ge [sflag:s4], $0x2000;
	s14 =	simm.s32 @!p0 $0x0  }
0x2c: {  	[sflag:s4] =	ssyncset.done $0x0;
	s15 =	sshll.u32 s14, $0xD  }
0x2d: {  	[sflag:s4] =	ssyncadd.s32 $0xFFFFE000;
	s18 =	sor.u32 $0x20, s15  }
0x2e: {  	s14 =	smul.u32 $0x8100, s14;
	v3 =	vld [tilespmem:s18+$0x10]  }
0x2f: {  	s30 =	sand.u32 $0x1, s11;
	v2 =	vld [tilespmem:s18+$0xFFFFFFF0]  }
0x30: {  	s15 =	smul.u32 $0x8100, s30;
	s14 =	sshrl.u32 s14, $0x2;
	v0 =	vld [tilespmem:s18+$0x0]  }
0x31: {  	v1 =	vld [tilespmem:s18+$0xFFFFFFE0];
	s16 =	sor.u32 $0x4000, s14  }
0x32: {  	s31 =	sshrl.u32 s15, $0x2;
	s15 =	sadd.s32 $0x0, s16  }
0x33: {  	s17 =	simm.s32 $0x4;
	s18 =	sadd.s32 $0x40, s18;
	s14 =	sor.u32 $0x4000, s31;
	[tilespmem:s15+$0x1830 ss:$0x81] =	vst.msk $0xffff, v3  }
.LBB1_3:
0x34: {  	v3 =	vld [tilespmem:s18+$0x10];
	p1 =	sne.s32 s17, $0x1FC;
	[tilespmem:s15+$0x810 ss:$0x81] =	vst.msk $0xffff, v2;
	s19 =	smov.u32 s17;
	s17 =	sadd.s32 $0x4, s17  }
.Ltmp3:
0x35: {  	v2 =	vld [tilespmem:s18+$0xFFFFFFF0];
	[tilespmem:s15+$0x1020 ss:$0x81] =	vst.msk $0xffff, v0;
	(pc) =	sbr.rel @p1 .LBB1_3-.Ltmp3, $4  }
0x36: {  	v0 =	vld [tilespmem:s18+$0x0];
	[tilespmem:s15+$0x0 ss:$0x81] =	vst.msk $0xffff, v1  }
0x37: {  	s15 =	sshra.s32 s19, $0x2;
	v1 =	vld [tilespmem:s18+$0xFFFFFFE0]  }
0x38: {  	s15 =	sadd.s32 s15, s16  }
0x39: {  	s18 =	sadd.s32 $0x40, s18;
	[tilespmem:s15+$0x1830 ss:$0x81] =	vst.msk $0xffff, v3  }
.Ltmp4:
0x3a: {  	_ = 	snop;
	(pc) =	sbr.rel .LBB1_4-.Ltmp4, $1  }
0x3b: {  	_ =	sdelay $0x3  }
.LBB1_6:
0x3c: {  	_ =	sfence.sel $0x180000  }
0x3d: {  	s2 =	simm.s32 $0x1;
	[bflag:$0x0] =	sbarrier.arrive $0xFFFF  }
0x3e: {  	s31 =	simm.s32 $0x2;
	[sflag:s2] =	ssyncpa.u1 $0x1  }
0x3f: {  	[sflag:s31] =	ssyncpa.u1 $0x1  }
0x40: {  	p0 =	sne.s32 s0, $0x0;
	_ =	strace $0x9000004A  }
0x41: {  	s0 =	sadd.s32 @!p0 $0x100000, s1;
	[bflag:$0x2] =	sbarrier.arrive $0xFFFF  }
0x42: {  	[sflag:s0] =	ssyncadd.tile.s32 @!p0 $0x1;
	_ =	shalt  }
.Lfunc_end1:
_tile_overlayer_lowered:
.L_overlay_start_2:
0x43: {  	(tag) =	ssettag $0x2  }
0x44: {  	s0 =	rddreg [dreg:$0x0];
	s2 =	stileid.u32  }
0x45: {  	s1 =	rddreg [dreg:$0x1];
	p0 =	sne.s32 s2, $0x0  }
0x46: {  	s3 =	rddreg [dreg:$0x2];
	[bflag:$0x3] =	sbarrier.arrive $0xFFFF;
	s2 =	simm.s32 @!p0 $0x1C01  }
0x47: {  	[timem:s3], [sflag:s2] =	dma.local @!p0 [hbm:s0], s1  }
0x48: {  	s0 =	simm.s32 @!p0 $0x1  }
0x49: {  	_ =	swait.ge @!p0 [sflag:s0], s1  }
0x4a: {  	s1 =	ssub.s32 @!p0 $0x0, s1;
	[sflag:s0] =	ssyncset.done @!p0 $0x0  }
0x4b: {  	[sflag:s0] =	ssyncadd.s32 @!p0 s1  }
0x4c: {  	[bflag:$0x3] =	sbarrier.arrive $0xFFFF  }
0x4d: {  	_ =	shalt  }

</sc_bundles>
